<compile_context>
chip_gen: v7x
topology: tpu7x:2x2x1
jax: 0.10.2.dev20260603
libtpu: 0.0.44.dev20260713+nightly
codegen_flags: <defaults>
</compile_context>

<pallas_src>
import functools

import jax
import jax.numpy as jnp
from jax import lax
from jax.experimental import pallas as pl
from jax.experimental.pallas import tpu as pltpu
from jax.experimental.pallas import tpu_sc as plsc

N_RAYS = 65536
MAX_STEPS = 64
NTILES = N_RAYS * MAX_STEPS // 128
NC, NS = 2, 16
NW = NC * NS
RPW = N_RAYS // NW
CHUNK = 64
TPC = CHUNK // 2
NPAIR = RPW // (2 * CHUNK)


def _rsqrt16(x):
    i = plsc.bitcast(x, jnp.int32)
    y = plsc.bitcast(jnp.int32(0x5F3759DF) - (i >> 1), jnp.float32)
    for _ in range(3):
        y = y * (1.5 - 0.5 * x * y * y)
    return y


def _sc_body(step_hbm, comp_hbm, out_hbm, valid_hbm,
             comp_v, tmin_v, dtm_v, ts_v, te_v, hv,
             obuf, vbuf0, vbuf1, so0, so1, sv0, sv1):
    wid = lax.axis_index("s") * NC + lax.axis_index("c")
    base = wid * RPW

    pltpu.sync_copy(step_hbm, hv)
    pltpu.sync_copy(comp_hbm.at[:, pl.ds(base, RPW)], comp_v)

    h16 = hv[...]
    lane = lax.iota(jnp.int32, 16)
    lanef = lane.astype(jnp.float32)

    for u in range(MAX_STEPS // 16):
        sf = jnp.float32(u * 16) + lanef
        ts_v[pl.ds(u * 16, 16)] = h16 * sf
        te_v[pl.ds(u * 16, 16)] = h16 * (sf + 1.0)

    def prep(g, carry):
        off = g * 16
        ox = comp_v[0, pl.ds(off, 16)]
        oy = comp_v[1, pl.ds(off, 16)]
        oz = comp_v[2, pl.ds(off, 16)]
        dxr = comp_v[3, pl.ds(off, 16)]
        dyr = comp_v[4, pl.ds(off, 16)]
        dzr = comp_v[5, pl.ds(off, 16)]
        rn = _rsqrt16(dxr * dxr + dyr * dyr + dzr * dzr)
        dx = dxr * rn
        dy = dyr * rn
        dz = dzr * rn
        comp_v[3, pl.ds(off, 16)] = dx
        comp_v[4, pl.ds(off, 16)] = dy
        comp_v[5, pl.ds(off, 16)] = dz

        def slab(o, dd):
            sd = jnp.where(jnp.abs(dd) < 1e-10,
                           jnp.where(dd >= 0, 1e-10, -1e-10), dd)
            inv = 1.0 / sd
            a = (-1.0 - o) * inv
            b = (1.0 - o) * inv
            return jnp.minimum(a, b), jnp.maximum(a, b)

        nx, fx = slab(ox, dx)
        ny, fy = slab(oy, dy)
        nz, fz = slab(oz, dz)
        tmin = jnp.maximum(jnp.maximum(jnp.maximum(nx, ny), nz), 0.0)
        tmax = jnp.minimum(jnp.minimum(jnp.minimum(fx, fy), fz), 1e10)
        tmaxe = jnp.where(tmax > tmin, tmax, -3.0e38)
        tmin_v[pl.ds(off, 16)] = tmin
        dtm_v[pl.ds(off, 16)] = tmaxe - tmin
        return carry

    lax.fori_loop(0, RPW // 16, prep, 0)

    zero = jnp.zeros(16, jnp.float32)
    rowidx = [jnp.full((16,), c, jnp.int32) for c in range(6)]

    one32 = jnp.full((16,), 1, jnp.int32)
    zero32 = jnp.zeros(16, jnp.int32)

    def fill_chunk(k, b, vbuf):
        def ray_body(i, carry):
            r = k * CHUNK + i
            rs = jnp.full((16,), r, jnp.int32)
            ti = i // 2
            coff = (i % 2) * MAX_STEPS
            tmin = plsc.load_gather(tmin_v, [rs])
            dtm = plsc.load_gather(dtm_v, [rs])
            splats = [plsc.load_gather(comp_v, [rowidx[c], rs])
                      for c in range(6)]
            for u in range(MAX_STEPS // 16):
                tsu = ts_v[pl.ds(u * 16, 16)]
                teu = te_v[pl.ds(u * 16, 16)]
                m = teu <= dtm
                sl = pl.ds(coff + u * 16, 16)
                for f in range(6):
                    obuf[b, ti, f, sl] = jnp.where(m, splats[f], zero)
                obuf[b, ti, 6, sl] = jnp.where(m, tmin + tsu, zero)
                obuf[b, ti, 7, sl] = jnp.where(m, tmin + teu, zero)
                vbuf[pl.ds(i * MAX_STEPS + u * 16, 16)] = jnp.where(
                    m, one32, zero32)
            return carry

        lax.fori_loop(0, CHUNK, ray_body, 0)

    def pair(p, carry):
        for b, so, sv, vbuf in ((0, so0, sv0, vbuf0), (1, so1, sv1, vbuf1)):
            k = p * 2 + b

            @pl.when(p > 0)
            def _wait():
                pltpu.make_async_copy(
                    obuf.at[b], out_hbm.at[pl.ds(0, TPC)], so).wait()
                pltpu.make_async_copy(
                    vbuf, valid_hbm.at[pl.ds(0, CHUNK * MAX_STEPS)],
                    sv).wait()

            fill_chunk(k, b, vbuf)
            dstt = wid * (RPW // 2) + k * TPC
            dstv = (base + k * CHUNK) * MAX_STEPS
            pltpu.async_copy(obuf.at[b], out_hbm.at[pl.ds(dstt, TPC)], so)
            pltpu.async_copy(
                vbuf, valid_hbm.at[pl.ds(dstv, CHUNK * MAX_STEPS)], sv)
        return carry

    lax.fori_loop(0, NPAIR, pair, 0)
    for b, so, sv, vbuf in ((0, so0, sv0, vbuf0), (1, so1, sv1, vbuf1)):
        pltpu.make_async_copy(
            obuf.at[b], out_hbm.at[pl.ds(0, TPC)], so).wait()
        pltpu.make_async_copy(
            vbuf, valid_hbm.at[pl.ds(0, CHUNK * MAX_STEPS)], sv).wait()


_sc_call = functools.partial(
    pl.kernel,
    out_type=[
        jax.ShapeDtypeStruct((NTILES, 8, 128), jnp.float32),
        jax.ShapeDtypeStruct((N_RAYS * MAX_STEPS,), jnp.int32),
    ],
    mesh=plsc.VectorSubcoreMesh(
        core_axis_name="c", subcore_axis_name="s",
        num_cores=NC, num_subcores=NS),
    compiler_params=pltpu.CompilerParams(needs_layout_passes=False),
    scratch_types=[
        pltpu.VMEM((6, RPW), jnp.float32),
        pltpu.VMEM((RPW,), jnp.float32),
        pltpu.VMEM((RPW,), jnp.float32),
        pltpu.VMEM((MAX_STEPS,), jnp.float32),
        pltpu.VMEM((MAX_STEPS,), jnp.float32),
        pltpu.VMEM((16,), jnp.float32),
        pltpu.VMEM((2, TPC, 8, 128), jnp.float32),
        pltpu.VMEM((CHUNK * MAX_STEPS,), jnp.int32),
        pltpu.VMEM((CHUNK * MAX_STEPS,), jnp.int32),
        pltpu.SemaphoreType.DMA,
        pltpu.SemaphoreType.DMA,
        pltpu.SemaphoreType.DMA,
        pltpu.SemaphoreType.DMA,
    ],
)(_sc_body)


@jax.jit
def _run(origins, directions, step16):
    comp = jnp.concatenate([origins.T, directions.T], axis=0)
    out, valid_i32 = _sc_call(step16, comp)
    ridx = jnp.repeat(jnp.arange(N_RAYS, dtype=jnp.int32), MAX_STEPS)
    samples = jnp.transpose(out, (0, 2, 1)).reshape(N_RAYS * MAX_STEPS, 8)
    return samples, ridx, valid_i32 != 0


def kernel(origins, directions, render_step_size):
    step16 = jnp.full((16,), render_step_size, jnp.float32)
    return _run(origins, directions, step16)

# --- scband reference (transcript-rebuilt; emitter-appended) ---
"""Pipeline reference for scband-volumetric-sampler-19868518711413 (READ-ONLY COPY).

The authoritative reference and input builder live on the scoring server;
editing this copy changes nothing except your own understanding.
"""

import jax, jax.numpy as jnp
import numpy as np

N_RAYS = 65536
MAX_STEPS = 64
RENDER_STEP = 0.03125  # render_step_size
NEAR_PLANE = 0.0
FAR_PLANE = 1e10
AABB_MIN = jnp.array([-1.0, -1.0, -1.0], dtype=jnp.float32)
AABB_MAX = jnp.array([1.0, 1.0, 1.0], dtype=jnp.float32)


def setup_inputs(seed: int = 0) -> dict:
    key = jax.random.key(seed)
    k1, k2 = jax.random.split(key)
    # ray origins inside the scene AABB
    origins = jax.random.uniform(k1, (N_RAYS, 3), jnp.float32, minval=-0.5, maxval=0.5)
    directions = jax.random.normal(k2, (N_RAYS, 3), dtype=jnp.float32)
    render_step_size = jnp.float32(RENDER_STEP)
    return {"origins": origins, "directions": directions, "render_step_size": render_step_size}


def reference(origins, directions, render_step_size):
    # --- nerfacc.ray_marching analog with static shapes ---
    # normalize directions
    d = directions / (jnp.linalg.norm(directions, axis=-1, keepdims=True) + 1e-12)
    # ray / AABB intersection (slab method) -> per-ray t_min, t_max
    safe_d = jnp.where(jnp.abs(d) < 1e-10, jnp.where(d >= 0, 1e-10, -1e-10), d)
    inv_d = 1.0 / safe_d
    t0 = (AABB_MIN[None, :] - origins) * inv_d
    t1 = (AABB_MAX[None, :] - origins) * inv_d
    t_near = jnp.max(jnp.minimum(t0, t1), axis=-1)
    t_far = jnp.min(jnp.maximum(t0, t1), axis=-1)
    t_min = jnp.maximum(t_near, NEAR_PLANE)
    t_max = jnp.minimum(t_far, FAR_PLANE)
    hit = t_max > t_min
    # uniform marching (cone_angle = 0): fixed step size from t_min
    steps = jnp.arange(MAX_STEPS, dtype=jnp.float32)
    t_starts = t_min[:, None] + steps[None, :] * render_step_size  # [N, S]
    t_ends = t_starts + render_step_size
    valid = (t_ends <= t_max[:, None]) & hit[:, None]  # [N, S]
    # packed ray indices (static-shape analog of nerfacc packing)
    ray_indices = jnp.repeat(jnp.arange(N_RAYS, dtype=jnp.int64), MAX_STEPS)  # [N*S]
    # gather per-sample origins / dirs (the memory-bound gather in forward())
    origins_g = jnp.take(origins, ray_indices, axis=0)  # [N*S, 3]
    dirs_g = jnp.take(d, ray_indices, axis=0)           # [N*S, 3]
    starts = t_starts.reshape(-1, 1)
    ends = t_ends.reshape(-1, 1)
    mask = valid.reshape(-1, 1).astype(jnp.float32)
    # RaySamples frustums packed into one array: [origins(3), dirs(3), starts(1), ends(1)]
    samples = jnp.concatenate([origins_g, dirs_g, starts, ends], axis=-1) * mask
    return samples, ray_indices, valid.reshape(-1)


if False:  # reference __main__ guard neutralized (emitter)
    out = reference(**setup_inputs())
    print(out[0].shape, out[1].shape, out[2].shape)

if __name__ == "__main__":
    import jax
    _d = setup_inputs()
    print(jax.jit(kernel)(*tuple(_d.values())))

</pallas_src>

<mosaic_0001>
#map = affine_map<(d0, d1) -> (0)>
#map1 = affine_map<(d0, d1) -> (0, 0)>
#map2 = affine_map<(d0, d1) -> (0, 0, 0)>
module attributes {stable_mosaic.version = 14 : i64} {
  func.func @_sc_body(%arg0: i32, %arg1: i32, %arg2: memref<16xf32, #tpu.memory_space<hbm>>, %arg3: memref<6x65536xf32, #tpu.memory_space<hbm>>, %arg4: memref<32768x8x128xf32, #tpu.memory_space<hbm>>, %arg5: memref<4194304xi32, #tpu.memory_space<hbm>>, %arg6: memref<6x2048xf32, #tpu.memory_space<vmem>>, %arg7: memref<2048xf32, #tpu.memory_space<vmem>>, %arg8: memref<2048xf32, #tpu.memory_space<vmem>>, %arg9: memref<64xf32, #tpu.memory_space<vmem>>, %arg10: memref<64xf32, #tpu.memory_space<vmem>>, %arg11: memref<16xf32, #tpu.memory_space<vmem>>, %arg12: memref<2x32x8x128xf32, #tpu.memory_space<vmem>>, %arg13: memref<4096xi32, #tpu.memory_space<vmem>>, %arg14: memref<4096xi32, #tpu.memory_space<vmem>>, %arg15: memref<!tpu.dma_semaphore, #tpu.memory_space<semaphore_mem>>, %arg16: memref<!tpu.dma_semaphore, #tpu.memory_space<semaphore_mem>>, %arg17: memref<!tpu.dma_semaphore, #tpu.memory_space<semaphore_mem>>, %arg18: memref<!tpu.dma_semaphore, #tpu.memory_space<semaphore_mem>>) attributes {dimension_semantics = [#tpu.dimension_semantics<core_parallel>, #tpu.dimension_semantics<subcore_parallel>], iteration_bounds = array<i64: 2, 16>, scalar_prefetch = 0 : i64, scratch_operands = 13 : i64, tpu.core_type = #tpu.core_type<sc_vector_subcore>, window_params = [{transform_indices = #map}, {transform_indices = #map1}, {transform_indices = #map2}, {transform_indices = #map}]} {
    %mul3A = arith.constant 2 : i32
    %mul3A_0 = arith.muli %arg1, %mul3A : i32
    %add3A = arith.addi %mul3A_0, %arg0 : i32
    %mul3A_1 = arith.constant 2048 : i32
    %mul3A_2 = arith.muli %add3A, %mul3A_1 : i32
    "tpu.region"() ({
      %run_scoped3A = tpu.sem_alloc : memref<!tpu.dma_semaphore, #tpu.memory_space<semaphore_mem>>
      tpu.enqueue_dma source(%arg2 : memref<16xf32, #tpu.memory_space<hbm>>) target(%arg11 : memref<16xf32, #tpu.memory_space<vmem>>) target_semaphore(%run_scoped3A : memref<!tpu.dma_semaphore, #tpu.memory_space<semaphore_mem>>)
      tpu.wait_dma2 semaphore(%run_scoped3A : memref<!tpu.dma_semaphore, #tpu.memory_space<semaphore_mem>>) src(%arg2 : memref<16xf32, #tpu.memory_space<hbm>>) dst(%arg11 : memref<16xf32, #tpu.memory_space<vmem>>)
      tpu.yield
    }) : () -> ()
    "tpu.region"() ({
      %run_scoped3A = tpu.sem_alloc : memref<!tpu.dma_semaphore, #tpu.memory_space<semaphore_mem>>
      %dma_start3A = arith.constant 0 : i32
      %dma_start3A_124 = tpu.memref_slice %arg3[%dma_start3A, %mul3A_2] : memref<6x65536xf32, #tpu.memory_space<hbm>> -> memref<6x2048xf32, #tpu.memory_space<hbm>>
      %dma_start3A_125 = arith.constant 0 : i32
      %dma_start3A_126 = tpu.memref_slice %arg3[%dma_start3A_125, %mul3A_2] : memref<6x65536xf32, #tpu.memory_space<hbm>> -> memref<6x2048xf32, #tpu.memory_space<hbm>>
      tpu.enqueue_dma source(%dma_start3A_126 : memref<6x2048xf32, #tpu.memory_space<hbm>>) target(%arg6 : memref<6x2048xf32, #tpu.memory_space<vmem>>) target_semaphore(%run_scoped3A : memref<!tpu.dma_semaphore, #tpu.memory_space<semaphore_mem>>)
      %dma_wait3A_127 = arith.constant 0 : i32
      %dma_wait3A_128 = tpu.memref_slice %arg3[%dma_wait3A_127, %mul3A_2] : memref<6x65536xf32, #tpu.memory_space<hbm>> -> memref<6x2048xf32, #tpu.memory_space<hbm>>
      %dma_wait3A_129 = arith.constant 0 : i32
      %dma_wait3A_130 = tpu.memref_slice %arg3[%dma_wait3A_129, %mul3A_2] : memref<6x65536xf32, #tpu.memory_space<hbm>> -> memref<6x2048xf32, #tpu.memory_space<hbm>>
      tpu.wait_dma2 semaphore(%run_scoped3A : memref<!tpu.dma_semaphore, #tpu.memory_space<semaphore_mem>>) src(%dma_wait3A_130 : memref<6x2048xf32, #tpu.memory_space<hbm>>) dst(%arg6 : memref<6x2048xf32, #tpu.memory_space<vmem>>)
      tpu.yield
    }) : () -> ()
    %get3A = arith.constant 0 : index
    %get3A_3 = tpu.vector_load %arg11[%get3A] {strides = array<i32>} : memref<16xf32, #tpu.memory_space<vmem>>, vector<16xf32>,
    %iota3A = tpu.iota {dimensions = array<i32: 0>} : vector<16xi32>
    %convert_element_type3A = arith.sitofp %iota3A : vector<16xi32> to vector<16xf32>
    %add3A_4 = arith.constant 0.000000e+00 : f32
    %add3A_5 = vector.broadcast %add3A_4 : f32 to vector<16xf32>
    %add3A_6 = arith.addf %add3A_5, %convert_element_type3A : vector<16xf32>
    %mul3A_7 = arith.mulf %get3A_3, %add3A_6 : vector<16xf32>
    %swap3A = arith.constant 0 : index
    %swap3A_8 = tpu.vector_load %arg9[%swap3A] {strides = array<i32>} : memref<64xf32, #tpu.memory_space<vmem>>, vector<16xf32>,
    tpu.vector_store %arg9[%swap3A], %mul3A_7 {strides = array<i32>} : memref<64xf32, #tpu.memory_space<vmem>>, vector<16xf32>,
    %add3A_9 = arith.constant 1.000000e+00 : f32
    %add3A_10 = vector.broadcast %add3A_9 : f32 to vector<16xf32>
    %add3A_11 = arith.addf %add3A_6, %add3A_10 : vector<16xf32>
    %mul3A_12 = arith.mulf %get3A_3, %add3A_11 : vector<16xf32>
    %swap3A_13 = arith.constant 0 : index
    %swap3A_14 = tpu.vector_load %arg10[%swap3A_13] {strides = array<i32>} : memref<64xf32, #tpu.memory_space<vmem>>, vector<16xf32>,
    tpu.vector_store %arg10[%swap3A_13], %mul3A_12 {strides = array<i32>} : memref<64xf32, #tpu.memory_space<vmem>>, vector<16xf32>,
    %add3A_15 = arith.constant 1.600000e+01 : f32
    %add3A_16 = vector.broadcast %add3A_15 : f32 to vector<16xf32>
    %add3A_17 = arith.addf %add3A_16, %convert_element_type3A : vector<16xf32>
    %mul3A_18 = arith.mulf %get3A_3, %add3A_17 : vector<16xf32>
    %swap3A_19 = arith.constant 16 : index
    %swap3A_20 = tpu.vector_load %arg9[%swap3A_19] {strides = array<i32>} : memref<64xf32, #tpu.memory_space<vmem>>, vector<16xf32>,
    tpu.vector_store %arg9[%swap3A_19], %mul3A_18 {strides = array<i32>} : memref<64xf32, #tpu.memory_space<vmem>>, vector<16xf32>,
    %add3A_21 = arith.constant 1.000000e+00 : f32
    %add3A_22 = vector.broadcast %add3A_21 : f32 to vector<16xf32>
    %add3A_23 = arith.addf %add3A_17, %add3A_22 : vector<16xf32>
    %mul3A_24 = arith.mulf %get3A_3, %add3A_23 : vector<16xf32>
    %swap3A_25 = arith.constant 16 : index
    %swap3A_26 = tpu.vector_load %arg10[%swap3A_25] {strides = array<i32>} : memref<64xf32, #tpu.memory_space<vmem>>, vector<16xf32>,
    tpu.vector_store %arg10[%swap3A_25], %mul3A_24 {strides = array<i32>} : memref<64xf32, #tpu.memory_space<vmem>>, vector<16xf32>,
    %add3A_27 = arith.constant 3.200000e+01 : f32
    %add3A_28 = vector.broadcast %add3A_27 : f32 to vector<16xf32>
    %add3A_29 = arith.addf %add3A_28, %convert_element_type3A : vector<16xf32>
    %mul3A_30 = arith.mulf %get3A_3, %add3A_29 : vector<16xf32>
    %swap3A_31 = arith.constant 32 : index
    %swap3A_32 = tpu.vector_load %arg9[%swap3A_31] {strides = array<i32>} : memref<64xf32, #tpu.memory_space<vmem>>, vector<16xf32>,
    tpu.vector_store %arg9[%swap3A_31], %mul3A_30 {strides = array<i32>} : memref<64xf32, #tpu.memory_space<vmem>>, vector<16xf32>,
    %add3A_33 = arith.constant 1.000000e+00 : f32
    %add3A_34 = vector.broadcast %add3A_33 : f32 to vector<16xf32>
    %add3A_35 = arith.addf %add3A_29, %add3A_34 : vector<16xf32>
    %mul3A_36 = arith.mulf %get3A_3, %add3A_35 : vector<16xf32>
    %swap3A_37 = arith.constant 32 : index
    %swap3A_38 = tpu.vector_load %arg10[%swap3A_37] {strides = array<i32>} : memref<64xf32, #tpu.memory_space<vmem>>, vector<16xf32>,
    tpu.vector_store %arg10[%swap3A_37], %mul3A_36 {strides = array<i32>} : memref<64xf32, #tpu.memory_space<vmem>>, vector<16xf32>,
    %add3A_39 = arith.constant 4.800000e+01 : f32
    %add3A_40 = vector.broadcast %add3A_39 : f32 to vector<16xf32>
    %add3A_41 = arith.addf %add3A_40, %convert_element_type3A : vector<16xf32>
    %mul3A_42 = arith.mulf %get3A_3, %add3A_41 : vector<16xf32>
    %swap3A_43 = arith.constant 48 : index
    %swap3A_44 = tpu.vector_load %arg9[%swap3A_43] {strides = array<i32>} : memref<64xf32, #tpu.memory_space<vmem>>, vector<16xf32>,
    tpu.vector_store %arg9[%swap3A_43], %mul3A_42 {strides = array<i32>} : memref<64xf32, #tpu.memory_space<vmem>>, vector<16xf32>,
    %add3A_45 = arith.constant 1.000000e+00 : f32
    %add3A_46 = vector.broadcast %add3A_45 : f32 to vector<16xf32>
    %add3A_47 = arith.addf %add3A_41, %add3A_46 : vector<16xf32>
    %mul3A_48 = arith.mulf %get3A_3, %add3A_47 : vector<16xf32>
    %swap3A_49 = arith.constant 48 : index
    %swap3A_50 = tpu.vector_load %arg10[%swap3A_49] {strides = array<i32>} : memref<64xf32, #tpu.memory_space<vmem>>, vector<16xf32>,
    tpu.vector_store %arg10[%swap3A_49], %mul3A_48 {strides = array<i32>} : memref<64xf32, #tpu.memory_space<vmem>>, vector<16xf32>,
    %scan3A = arith.constant 0 : i32
    %scan3A_51 = arith.constant 0 : i32
    %scan3A_52 = arith.constant 128 : i32
    %scan3A_53 = arith.addi %scan3A_51, %scan3A_52 : i32
    %scan3A_54 = arith.constant 1 : i32
    scf.for %scan3A_124 = %scan3A_51 to %scan3A_53 step %scan3A_54  : i32 {
      %mul3A_125 = arith.constant 16 : i32
      %mul3A_126 = arith.muli %scan3A_124, %mul3A_125 : i32
      %get3A_127 = arith.constant 0 : i32
      %get3A_128 = arith.index_cast %get3A_127 : i32 to index
      %get3A_129 = arith.index_cast %mul3A_126 : i32 to index
      %get3A_130 = tpu.vector_load %arg6[%get3A_128, %get3A_129] {strides = array<i32>} : memref<6x2048xf32, #tpu.memory_space<vmem>>, vector<16xf32>,
      %get3A_131 = arith.constant 1 : i32
      %get3A_132 = arith.index_cast %get3A_131 : i32 to index
      %get3A_133 = arith.index_cast %mul3A_126 : i32 to index
      %get3A_134 = tpu.vector_load %arg6[%get3A_132, %get3A_133] {strides = array<i32>} : memref<6x2048xf32, #tpu.memory_space<vmem>>, vector<16xf32>,
      %get3A_135 = arith.constant 2 : i32
      %get3A_136 = arith.index_cast %get3A_135 : i32 to index
      %get3A_137 = arith.index_cast %mul3A_126 : i32 to index
      %get3A_138 = tpu.vector_load %arg6[%get3A_136, %get3A_137] {strides = array<i32>} : memref<6x2048xf32, #tpu.memory_space<vmem>>, vector<16xf32>,
      %get3A_139 = arith.constant 3 : i32
      %get3A_140 = arith.index_cast %get3A_139 : i32 to index
      %get3A_141 = arith.index_cast %mul3A_126 : i32 to index
      %get3A_142 = tpu.vector_load %arg6[%get3A_140, %get3A_141] {strides = array<i32>} : memref<6x2048xf32, #tpu.memory_space<vmem>>, vector<16xf32>,
      %get3A_143 = arith.constant 4 : i32
      %get3A_144 = arith.index_cast %get3A_143 : i32 to index
      %get3A_145 = arith.index_cast %mul3A_126 : i32 to index
      %get3A_146 = tpu.vector_load %arg6[%get3A_144, %get3A_145] {strides = array<i32>} : memref<6x2048xf32, #tpu.memory_space<vmem>>, vector<16xf32>,
      %get3A_147 = arith.constant 5 : i32
      %get3A_148 = arith.index_cast %get3A_147 : i32 to index
      %get3A_149 = arith.index_cast %mul3A_126 : i32 to index
      %get3A_150 = tpu.vector_load %arg6[%get3A_148, %get3A_149] {strides = array<i32>} : memref<6x2048xf32, #tpu.memory_space<vmem>>, vector<16xf32>,
      %mul3A_151 = arith.mulf %get3A_142, %get3A_142 : vector<16xf32>
      %mul3A_152 = arith.mulf %get3A_146, %get3A_146 : vector<16xf32>
      %add3A_153 = arith.addf %mul3A_151, %mul3A_152 : vector<16xf32>
      %mul3A_154 = arith.mulf %get3A_150, %get3A_150 : vector<16xf32>
      %add3A_155 = arith.addf %add3A_153, %mul3A_154 : vector<16xf32>
      %bitcast3A = vector.bitcast %add3A_155 : vector<16xf32> to vector<16xi32>
      %shift_right_arithmetic3A = arith.constant 1 : i32
      %shift_right_arithmetic3A_156 = vector.broadcast %shift_right_arithmetic3A : i32 to vector<16xi32>
      %shift_right_arithmetic3A_157 = arith.shrsi %bitcast3A, %shift_right_arithmetic3A_156 : vector<16xi32>
      %sub3A = arith.constant 1597463007 : i32
      %sub3A_158 = vector.broadcast %sub3A : i32 to vector<16xi32>
      %sub3A_159 = arith.subi %sub3A_158, %shift_right_arithmetic3A_157 : vector<16xi32>
      %bitcast3A_160 = vector.bitcast %sub3A_159 : vector<16xi32> to vector<16xf32>
      %mul3A_161 = arith.constant 5.000000e-01 : f32
      %mul3A_162 = vector.broadcast %mul3A_161 : f32 to vector<16xf32>
      %mul3A_163 = arith.mulf %mul3A_162, %add3A_155 : vector<16xf32>
      %mul3A_164 = arith.mulf %mul3A_163, %bitcast3A_160 : vector<16xf32>
      %mul3A_165 = arith.mulf %mul3A_164, %bitcast3A_160 : vector<16xf32>
      %sub3A_166 = arith.constant 1.500000e+00 : f32
      %sub3A_167 = vector.broadcast %sub3A_166 : f32 to vector<16xf32>
      %sub3A_168 = arith.subf %sub3A_167, %mul3A_165 : vector<16xf32>
      %mul3A_169 = arith.mulf %bitcast3A_160, %sub3A_168 : vector<16xf32>
      %mul3A_170 = arith.constant 5.000000e-01 : f32
      %mul3A_171 = vector.broadcast %mul3A_170 : f32 to vector<16xf32>
      %mul3A_172 = arith.mulf %mul3A_171, %add3A_155 : vector<16xf32>
      %mul3A_173 = arith.mulf %mul3A_172, %mul3A_169 : vector<16xf32>
      %mul3A_174 = arith.mulf %mul3A_173, %mul3A_169 : vector<16xf32>
      %sub3A_175 = arith.constant 1.500000e+00 : f32
      %sub3A_176 = vector.broadcast %sub3A_175 : f32 to vector<16xf32>
      %sub3A_177 = arith.subf %sub3A_176, %mul3A_174 : vector<16xf32>
      %mul3A_178 = arith.mulf %mul3A_169, %sub3A_177 : vector<16xf32>
      %mul3A_179 = arith.constant 5.000000e-01 : f32
      %mul3A_180 = vector.broadcast %mul3A_179 : f32 to vector<16xf32>
      %mul3A_181 = arith.mulf %mul3A_180, %add3A_155 : vector<16xf32>
      %mul3A_182 = arith.mulf %mul3A_181, %mul3A_178 : vector<16xf32>
      %mul3A_183 = arith.mulf %mul3A_182, %mul3A_178 : vector<16xf32>
      %sub3A_184 = arith.constant 1.500000e+00 : f32
      %sub3A_185 = vector.broadcast %sub3A_184 : f32 to vector<16xf32>
      %sub3A_186 = arith.subf %sub3A_185, %mul3A_183 : vector<16xf32>
      %mul3A_187 = arith.mulf %mul3A_178, %sub3A_186 : vector<16xf32>
      %mul3A_188 = arith.mulf %get3A_142, %mul3A_187 : vector<16xf32>
      %mul3A_189 = arith.mulf %get3A_146, %mul3A_187 : vector<16xf32>
      %mul3A_190 = arith.mulf %get3A_150, %mul3A_187 : vector<16xf32>
      %swap3A_191 = arith.constant 3 : i32
      %swap3A_192 = arith.index_cast %swap3A_191 : i32 to index
      %swap3A_193 = arith.index_cast %mul3A_126 : i32 to index
      %swap3A_194 = tpu.vector_load %arg6[%swap3A_192, %swap3A_193] {strides = array<i32>} : memref<6x2048xf32, #tpu.memory_space<vmem>>, vector<16xf32>,
      tpu.vector_store %arg6[%swap3A_192, %swap3A_193], %mul3A_188 {strides = array<i32>} : memref<6x2048xf32, #tpu.memory_space<vmem>>, vector<16xf32>,
      %swap3A_195 = arith.constant 4 : i32
      %swap3A_196 = arith.index_cast %swap3A_195 : i32 to index
      %swap3A_197 = arith.index_cast %mul3A_126 : i32 to index
      %swap3A_198 = tpu.vector_load %arg6[%swap3A_196, %swap3A_197] {strides = array<i32>} : memref<6x2048xf32, #tpu.memory_space<vmem>>, vector<16xf32>,
      tpu.vector_store %arg6[%swap3A_196, %swap3A_197], %mul3A_189 {strides = array<i32>} : memref<6x2048xf32, #tpu.memory_space<vmem>>, vector<16xf32>,
      %swap3A_199 = arith.constant 5 : i32
      %swap3A_200 = arith.index_cast %swap3A_199 : i32 to index
      %swap3A_201 = arith.index_cast %mul3A_126 : i32 to index
      %swap3A_202 = tpu.vector_load %arg6[%swap3A_200, %swap3A_201] {strides = array<i32>} : memref<6x2048xf32, #tpu.memory_space<vmem>>, vector<16xf32>,
      tpu.vector_store %arg6[%swap3A_200, %swap3A_201], %mul3A_190 {strides = array<i32>} : memref<6x2048xf32, #tpu.memory_space<vmem>>, vector<16xf32>,
      %abs3A = math.absf %mul3A_188 : vector<16xf32>
      %lt3A = arith.constant 1.000000e-10 : f32
      %lt3A_203 = vector.broadcast %lt3A : f32 to vector<16xf32>
      %lt3A_204 = arith.cmpf olt, %abs3A, %lt3A_203 : vector<16xf32>
      %ge3A = arith.constant 0.000000e+00 : f32
      %ge3A_205 = vector.broadcast %ge3A : f32 to vector<16xf32>
      %ge3A_206 = arith.cmpf oge, %mul3A_188, %ge3A_205 : vector<16xf32>
      %jit3A = arith.constant 1.000000e-10 : f32
      %jit3A_207 = arith.constant -1.000000e-10 : f32
      %broadcast_in_dim3A_208 = vector.broadcast %jit3A : f32 to vector<16xf32>
      %broadcast_in_dim3A_209 = vector.broadcast %jit3A_207 : f32 to vector<16xf32>
      %select_n3A = arith.select %ge3A_206, %broadcast_in_dim3A_208, %broadcast_in_dim3A_209 : vector<16xi1>, vector<16xf32>
      %select_n3A_210 = arith.select %lt3A_204, %select_n3A, %mul3A_188 : vector<16xi1>, vector<16xf32>
      %div3A = arith.constant 1.000000e+00 : f32
      %div3A_211 = vector.broadcast %div3A : f32 to vector<16xf32>
      %div3A_212 = arith.divf %div3A_211, %select_n3A_210 : vector<16xf32>
      %sub3A_213 = arith.constant -1.000000e+00 : f32
      %sub3A_214 = vector.broadcast %sub3A_213 : f32 to vector<16xf32>
      %sub3A_215 = arith.subf %sub3A_214, %get3A_130 : vector<16xf32>
      %mul3A_216 = arith.mulf %sub3A_215, %div3A_212 : vector<16xf32>
      %sub3A_217 = arith.constant 1.000000e+00 : f32
      %sub3A_218 = vector.broadcast %sub3A_217 : f32 to vector<16xf32>
      %sub3A_219 = arith.subf %sub3A_218, %get3A_130 : vector<16xf32>
      %mul3A_220 = arith.mulf %sub3A_219, %div3A_212 : vector<16xf32>
      %min3A = arith.minimumf %mul3A_216, %mul3A_220 : vector<16xf32>
      %max3A = arith.maximumf %mul3A_216, %mul3A_220 : vector<16xf32>
      %abs3A_221 = math.absf %mul3A_189 : vector<16xf32>
      %lt3A_222 = arith.constant 1.000000e-10 : f32
      %lt3A_223 = vector.broadcast %lt3A_222 : f32 to vector<16xf32>
      %lt3A_224 = arith.cmpf olt, %abs3A_221, %lt3A_223 : vector<16xf32>
      %ge3A_225 = arith.constant 0.000000e+00 : f32
      %ge3A_226 = vector.broadcast %ge3A_225 : f32 to vector<16xf32>
      %ge3A_227 = arith.cmpf oge, %mul3A_189, %ge3A_226 : vector<16xf32>
      %jit3A_228 = arith.constant 1.000000e-10 : f32
      %jit3A_229 = arith.constant -1.000000e-10 : f32
      %broadcast_in_dim3A_230 = vector.broadcast %jit3A_228 : f32 to vector<16xf32>
      %broadcast_in_dim3A_231 = vector.broadcast %jit3A_229 : f32 to vector<16xf32>
      %select_n3A_232 = arith.select %ge3A_227, %broadcast_in_dim3A_230, %broadcast_in_dim3A_231 : vector<16xi1>, vector<16xf32>
      %select_n3A_233 = arith.select %lt3A_224, %select_n3A_232, %mul3A_189 : vector<16xi1>, vector<16xf32>
      %div3A_234 = arith.constant 1.000000e+00 : f32
      %div3A_235 = vector.broadcast %div3A_234 : f32 to vector<16xf32>
      %div3A_236 = arith.divf %div3A_235, %select_n3A_233 : vector<16xf32>
      %sub3A_237 = arith.constant -1.000000e+00 : f32
      %sub3A_238 = vector.broadcast %sub3A_237 : f32 to vector<16xf32>
      %sub3A_239 = arith.subf %sub3A_238, %get3A_134 : vector<16xf32>
      %mul3A_240 = arith.mulf %sub3A_239, %div3A_236 : vector<16xf32>
      %sub3A_241 = arith.constant 1.000000e+00 : f32
      %sub3A_242 = vector.broadcast %sub3A_241 : f32 to vector<16xf32>
      %sub3A_243 = arith.subf %sub3A_242, %get3A_134 : vector<16xf32>
      %mul3A_244 = arith.mulf %sub3A_243, %div3A_236 : vector<16xf32>
      %min3A_245 = arith.minimumf %mul3A_240, %mul3A_244 : vector<16xf32>
      %max3A_246 = arith.maximumf %mul3A_240, %mul3A_244 : vector<16xf32>
      %abs3A_247 = math.absf %mul3A_190 : vector<16xf32>
      %lt3A_248 = arith.constant 1.000000e-10 : f32
      %lt3A_249 = vector.broadcast %lt3A_248 : f32 to vector<16xf32>
      %lt3A_250 = arith.cmpf olt, %abs3A_247, %lt3A_249 : vector<16xf32>
      %ge3A_251 = arith.constant 0.000000e+00 : f32
      %ge3A_252 = vector.broadcast %ge3A_251 : f32 to vector<16xf32>
      %ge3A_253 = arith.cmpf oge, %mul3A_190, %ge3A_252 : vector<16xf32>
      %jit3A_254 = arith.constant 1.000000e-10 : f32
      %jit3A_255 = arith.constant -1.000000e-10 : f32
      %broadcast_in_dim3A_256 = vector.broadcast %jit3A_254 : f32 to vector<16xf32>
      %broadcast_in_dim3A_257 = vector.broadcast %jit3A_255 : f32 to vector<16xf32>
      %select_n3A_258 = arith.select %ge3A_253, %broadcast_in_dim3A_256, %broadcast_in_dim3A_257 : vector<16xi1>, vector<16xf32>
      %select_n3A_259 = arith.select %lt3A_250, %select_n3A_258, %mul3A_190 : vector<16xi1>, vector<16xf32>
      %div3A_260 = arith.constant 1.000000e+00 : f32
      %div3A_261 = vector.broadcast %div3A_260 : f32 to vector<16xf32>
      %div3A_262 = arith.divf %div3A_261, %select_n3A_259 : vector<16xf32>
      %sub3A_263 = arith.constant -1.000000e+00 : f32
      %sub3A_264 = vector.broadcast %sub3A_263 : f32 to vector<16xf32>
      %sub3A_265 = arith.subf %sub3A_264, %get3A_138 : vector<16xf32>
      %mul3A_266 = arith.mulf %sub3A_265, %div3A_262 : vector<16xf32>
      %sub3A_267 = arith.constant 1.000000e+00 : f32
      %sub3A_268 = vector.broadcast %sub3A_267 : f32 to vector<16xf32>
      %sub3A_269 = arith.subf %sub3A_268, %get3A_138 : vector<16xf32>
      %mul3A_270 = arith.mulf %sub3A_269, %div3A_262 : vector<16xf32>
      %min3A_271 = arith.minimumf %mul3A_266, %mul3A_270 : vector<16xf32>
      %max3A_272 = arith.maximumf %mul3A_266, %mul3A_270 : vector<16xf32>
      %max3A_273 = arith.maximumf %min3A, %min3A_245 : vector<16xf32>
      %max3A_274 = arith.maximumf %max3A_273, %min3A_271 : vector<16xf32>
      %max3A_275 = arith.constant 0.000000e+00 : f32
      %max3A_276 = vector.broadcast %max3A_275 : f32 to vector<16xf32>
      %max3A_277 = arith.maximumf %max3A_274, %max3A_276 : vector<16xf32>
      %min3A_278 = arith.minimumf %max3A, %max3A_246 : vector<16xf32>
      %min3A_279 = arith.minimumf %min3A_278, %max3A_272 : vector<16xf32>
      %min3A_280 = arith.constant 1.000000e+10 : f32
      %min3A_281 = vector.broadcast %min3A_280 : f32 to vector<16xf32>
      %min3A_282 = arith.minimumf %min3A_279, %min3A_281 : vector<16xf32>
      %gt3A = arith.cmpf ogt, %min3A_282, %max3A_277 : vector<16xf32>
      %jit3A_283 = arith.constant -3.000000e+38 : f32
      %broadcast_in_dim3A_284 = vector.broadcast %jit3A_283 : f32 to vector<16xf32>
      %select_n3A_285 = arith.select %gt3A, %min3A_282, %broadcast_in_dim3A_284 : vector<16xi1>, vector<16xf32>
      %swap3A_286 = arith.index_cast %mul3A_126 : i32 to index
      %swap3A_287 = tpu.vector_load %arg7[%swap3A_286] {strides = array<i32>} : memref<2048xf32, #tpu.memory_space<vmem>>, vector<16xf32>,
      tpu.vector_store %arg7[%swap3A_286], %max3A_277 {strides = array<i32>} : memref<2048xf32, #tpu.memory_space<vmem>>, vector<16xf32>,
      %sub3A_288 = arith.subf %select_n3A_285, %max3A_277 : vector<16xf32>
      %swap3A_289 = arith.index_cast %mul3A_126 : i32 to index
      %swap3A_290 = tpu.vector_load %arg8[%swap3A_289] {strides = array<i32>} : memref<2048xf32, #tpu.memory_space<vmem>>, vector<16xf32>,
      tpu.vector_store %arg8[%swap3A_289], %sub3A_288 {strides = array<i32>} : memref<2048xf32, #tpu.memory_space<vmem>>, vector<16xf32>,
    }
    %scan3A_55 = arith.constant 128 : i32
    %broadcast_in_dim3A = arith.constant 0.000000e+00 : f32
    %broadcast_in_dim3A_56 = vector.broadcast %broadcast_in_dim3A : f32 to vector<16xf32>
    %broadcast_in_dim3A_57 = arith.constant 0 : i32
    %broadcast_in_dim3A_58 = vector.broadcast %broadcast_in_dim3A_57 : i32 to vector<16xi32>
    %broadcast_in_dim3A_59 = arith.constant 1 : i32
    %broadcast_in_dim3A_60 = vector.broadcast %broadcast_in_dim3A_59 : i32 to vector<16xi32>
    %broadcast_in_dim3A_61 = arith.constant 2 : i32
    %broadcast_in_dim3A_62 = vector.broadcast %broadcast_in_dim3A_61 : i32 to vector<16xi32>
    %broadcast_in_dim3A_63 = arith.constant 3 : i32
    %broadcast_in_dim3A_64 = vector.broadcast %broadcast_in_dim3A_63 : i32 to vector<16xi32>
    %broadcast_in_dim3A_65 = arith.constant 4 : i32
    %broadcast_in_dim3A_66 = vector.broadcast %broadcast_in_dim3A_65 : i32 to vector<16xi32>
    %broadcast_in_dim3A_67 = arith.constant 5 : i32
    %broadcast_in_dim3A_68 = vector.broadcast %broadcast_in_dim3A_67 : i32 to vector<16xi32>
    %broadcast_in_dim3A_69 = arith.constant 1 : i32
    %broadcast_in_dim3A_70 = vector.broadcast %broadcast_in_dim3A_69 : i32 to vector<16xi32>
    %broadcast_in_dim3A_71 = arith.constant 0 : i32
    %broadcast_in_dim3A_72 = vector.broadcast %broadcast_in_dim3A_71 : i32 to vector<16xi32>
    %scan3A_73 = arith.constant 0 : i32
    %scan3A_74 = arith.constant 0 : i32
    %scan3A_75 = arith.constant 16 : i32
    %scan3A_76 = arith.addi %scan3A_74, %scan3A_75 : i32
    %scan3A_77 = arith.constant 1 : i32
    scf.for %scan3A_124 = %scan3A_74 to %scan3A_76 step %scan3A_77  : i32 {
      %mul3A_125 = arith.constant 2 : i32
      %mul3A_126 = arith.muli %scan3A_124, %mul3A_125 : i32
      %add3A_127 = arith.constant 0 : i32
      %add3A_128 = arith.addi %mul3A_126, %add3A_127 : i32
      %gt3A = arith.constant 0 : i32
      %gt3A_129 = arith.cmpi sgt, %scan3A_124, %gt3A : i32
      %convert_element_type3A_130 = arith.extui %gt3A_129 : i1 to i32
      %cond3A = arith.constant 0 : i32
      %cond3A_131 = arith.cmpi ne, %convert_element_type3A_130, %cond3A : i32
      scf.if %cond3A_131 {
        %dma_wait3A_210 = arith.constant 0 : i32
        %dma_wait3A_211 = arith.constant 0 : i32
        %dma_wait3A_212 = arith.constant 0 : i32
        %dma_wait3A_213 = arith.constant 0 : i32
        %dma_wait3A_214 = tpu.memref_slice %arg12[%dma_wait3A_210, %dma_wait3A_211, %dma_wait3A_212, %dma_wait3A_213] : memref<2x32x8x128xf32, #tpu.memory_space<vmem>> -> memref<1x32x8x128xf32, #tpu.memory_space<vmem>>
        %dma_wait3A_215 = tpu.memref_squeeze %dma_wait3A_214 : memref<1x32x8x128xf32, #tpu.memory_space<vmem>> -> memref<32x8x128xf32, #tpu.memory_space<vmem>>
        %dma_wait3A_216 = arith.constant 0 : i32
        %dma_wait3A_217 = arith.constant 0 : i32
        %dma_wait3A_218 = arith.constant 0 : i32
        %dma_wait3A_219 = tpu.memref_slice %arg4[%dma_wait3A_216, %dma_wait3A_217, %dma_wait3A_218] : memref<32768x8x128xf32, #tpu.memory_space<hbm>> -> memref<32x8x128xf32, #tpu.memory_space<hbm>>
        %dma_wait3A_220 = arith.constant 0 : i32
        %dma_wait3A_221 = arith.constant 0 : i32
        %dma_wait3A_222 = arith.constant 0 : i32
        %dma_wait3A_223 = tpu.memref_slice %arg4[%dma_wait3A_220, %dma_wait3A_221, %dma_wait3A_222] : memref<32768x8x128xf32, #tpu.memory_space<hbm>> -> memref<32x8x128xf32, #tpu.memory_space<hbm>>
        %dma_wait3A_224 = arith.constant 0 : i32
        %dma_wait3A_225 = arith.constant 0 : i32
        %dma_wait3A_226 = arith.constant 0 : i32
        %dma_wait3A_227 = tpu.memref_slice %arg12[%dma_wait3A_210, %dma_wait3A_224, %dma_wait3A_225, %dma_wait3A_226] : memref<2x32x8x128xf32, #tpu.memory_space<vmem>> -> memref<1x32x8x128xf32, #tpu.memory_space<vmem>>
        %dma_wait3A_228 = tpu.memref_squeeze %dma_wait3A_227 : memref<1x32x8x128xf32, #tpu.memory_space<vmem>> -> memref<32x8x128xf32, #tpu.memory_space<vmem>>
        tpu.wait_dma2 semaphore(%arg15 : memref<!tpu.dma_semaphore, #tpu.memory_space<semaphore_mem>>) src(%dma_wait3A_228 : memref<32x8x128xf32, #tpu.memory_space<vmem>>) dst(%dma_wait3A_223 : memref<32x8x128xf32, #tpu.memory_space<hbm>>)
        %dma_wait3A_229 = arith.constant 0 : i32
        %dma_wait3A_230 = tpu.memref_slice %arg5[%dma_wait3A_229] : memref<4194304xi32, #tpu.memory_space<hbm>> -> memref<4096xi32, #tpu.memory_space<hbm>>
        %dma_wait3A_231 = arith.constant 0 : i32
        %dma_wait3A_232 = tpu.memref_slice %arg5[%dma_wait3A_231] : memref<4194304xi32, #tpu.memory_space<hbm>> -> memref<4096xi32, #tpu.memory_space<hbm>>
        tpu.wait_dma2 semaphore(%arg17 : memref<!tpu.dma_semaphore, #tpu.memory_space<semaphore_mem>>) src(%arg13 : memref<4096xi32, #tpu.memory_space<vmem>>) dst(%dma_wait3A_232 : memref<4096xi32, #tpu.memory_space<hbm>>)
      } else {
      }
      %scan3A_132 = arith.constant 0 : i32
      %scan3A_133 = arith.constant 0 : i32
      %scan3A_134 = arith.constant 64 : i32
      %scan3A_135 = arith.addi %scan3A_133, %scan3A_134 : i32
      %scan3A_136 = arith.constant 1 : i32
      scf.for %scan3A_210 = %scan3A_133 to %scan3A_135 step %scan3A_136  : i32 {
        %mul3A_211 = arith.constant 64 : i32
        %mul3A_212 = arith.muli %add3A_128, %mul3A_211 : i32
        %add3A_213 = arith.addi %mul3A_212, %scan3A_210 : i32
        %broadcast_in_dim3A_214 = vector.broadcast %add3A_213 : i32 to vector<16xi32>
        %jit3A = arith.constant 2 : i32
        %div3A = arith.divsi %scan3A_210, %jit3A : i32
        %sign3A = arith.constant 0 : i32
        %sign3A_215 = arith.cmpi sgt, %scan3A_210, %sign3A : i32
        %sign3A_216 = arith.extui %sign3A_215 : i1 to i32
        %sign3A_217 = arith.constant 0 : i32
        %sign3A_218 = arith.cmpi slt, %scan3A_210, %sign3A_217 : i32
        %sign3A_219 = arith.extui %sign3A_218 : i1 to i32
        %sign3A_220 = arith.subi %sign3A_216, %sign3A_219 : i32
        %sign3A_221 = arith.constant 0 : i32
        %sign3A_222 = arith.cmpi sgt, %jit3A, %sign3A_221 : i32
        %sign3A_223 = arith.extui %sign3A_222 : i1 to i32
        %sign3A_224 = arith.constant 0 : i32
        %sign3A_225 = arith.cmpi slt, %jit3A, %sign3A_224 : i32
        %sign3A_226 = arith.extui %sign3A_225 : i1 to i32
        %sign3A_227 = arith.subi %sign3A_223, %sign3A_226 : i32
        %ne3A = arith.cmpi ne, %sign3A_220, %sign3A_227 : i32
        %rem3A = arith.remsi %scan3A_210, %jit3A : i32
        %ne3A_228 = arith.constant 0 : i32
        %ne3A_229 = arith.cmpi ne, %rem3A, %ne3A_228 : i32
        %and3A = arith.andi %ne3A, %ne3A_229 : i1
        %sub3A = arith.constant 1 : i32
        %sub3A_230 = arith.subi %div3A, %sub3A : i32
        %select_n3A = arith.select %and3A, %sub3A_230, %div3A : i32
        %jit3A_231 = arith.constant 2 : i32
        %eq3A = arith.constant 0 : i32
        %eq3A_232 = arith.cmpi eq, %jit3A_231, %eq3A : i32
        %jit3A_233 = arith.constant 1 : i32
        %select_n3A_234 = arith.select %eq3A_232, %jit3A_233, %jit3A_231 : i32
        %rem3A_235 = arith.remsi %scan3A_210, %select_n3A_234 : i32
        %ne3A_236 = arith.constant 0 : i32
        %ne3A_237 = arith.cmpi ne, %rem3A_235, %ne3A_236 : i32
        %lt3A = arith.constant 0 : i32
        %lt3A_238 = arith.cmpi slt, %rem3A_235, %lt3A : i32
        %lt3A_239 = arith.constant 0 : i32
        %lt3A_240 = arith.cmpi slt, %select_n3A_234, %lt3A_239 : i32
        %ne3A_241 = arith.xori %lt3A_238, %lt3A_240 : i1
        %and3A_242 = arith.andi %ne3A_241, %ne3A_237 : i1
        %add3A_243 = arith.addi %rem3A_235, %select_n3A_234 : i32
        %select_n3A_244 = arith.select %and3A_242, %add3A_243, %rem3A_235 : i32
        %mul3A_245 = arith.constant 64 : i32
        %mul3A_246 = arith.muli %select_n3A_244, %mul3A_245 : i32
        %gather3A = tpu.vector_load_idx %arg7[%broadcast_in_dim3A_214] : memref<2048xf32, #tpu.memory_space<vmem>>[vector<16xi32>], vector<16xf32>,
        %gather3A_247 = tpu.vector_load_idx %arg8[%broadcast_in_dim3A_214] : memref<2048xf32, #tpu.memory_space<vmem>>[vector<16xi32>], vector<16xf32>,
        %gather3A_248 = tpu.vector_load_idx %arg6[%broadcast_in_dim3A_58, %broadcast_in_dim3A_214] : memref<6x2048xf32, #tpu.memory_space<vmem>>[vector<16xi32>, vector<16xi32>], vector<16xf32>,
        %gather3A_249 = tpu.vector_load_idx %arg6[%broadcast_in_dim3A_60, %broadcast_in_dim3A_214] : memref<6x2048xf32, #tpu.memory_space<vmem>>[vector<16xi32>, vector<16xi32>], vector<16xf32>,
        %gather3A_250 = tpu.vector_load_idx %arg6[%broadcast_in_dim3A_62, %broadcast_in_dim3A_214] : memref<6x2048xf32, #tpu.memory_space<vmem>>[vector<16xi32>, vector<16xi32>], vector<16xf32>,
        %gather3A_251 = tpu.vector_load_idx %arg6[%broadcast_in_dim3A_64, %broadcast_in_dim3A_214] : memref<6x2048xf32, #tpu.memory_space<vmem>>[vector<16xi32>, vector<16xi32>], vector<16xf32>,
        %gather3A_252 = tpu.vector_load_idx %arg6[%broadcast_in_dim3A_66, %broadcast_in_dim3A_214] : memref<6x2048xf32, #tpu.memory_space<vmem>>[vector<16xi32>, vector<16xi32>], vector<16xf32>,
        %gather3A_253 = tpu.vector_load_idx %arg6[%broadcast_in_dim3A_68, %broadcast_in_dim3A_214] : memref<6x2048xf32, #tpu.memory_space<vmem>>[vector<16xi32>, vector<16xi32>], vector<16xf32>,
        %get3A_254 = arith.constant 0 : index
        %get3A_255 = tpu.vector_load %arg9[%get3A_254] {strides = array<i32>} : memref<64xf32, #tpu.memory_space<vmem>>, vector<16xf32>,
        %get3A_256 = arith.constant 0 : index
        %get3A_257 = tpu.vector_load %arg10[%get3A_256] {strides = array<i32>} : memref<64xf32, #tpu.memory_space<vmem>>, vector<16xf32>,
        %le3A = arith.cmpf ole, %get3A_257, %gather3A_247 : vector<16xf32>
        %add3A_258 = arith.constant 0 : i32
        %add3A_259 = arith.addi %mul3A_246, %add3A_258 : i32
        %select_n3A_260 = arith.select %le3A, %gather3A_248, %broadcast_in_dim3A_56 : vector<16xi1>, vector<16xf32>
        %swap3A_261 = arith.constant 0 : i32
        %swap3A_262 = arith.constant 0 : i32
        %swap3A_263 = arith.index_cast %swap3A_261 : i32 to index
        %swap3A_264 = arith.index_cast %select_n3A : i32 to index
        %swap3A_265 = arith.index_cast %swap3A_262 : i32 to index
        %swap3A_266 = arith.index_cast %add3A_259 : i32 to index
        %swap3A_267 = tpu.vector_load %arg12[%swap3A_263, %swap3A_264, %swap3A_265, %swap3A_266] {strides = array<i32>} : memref<2x32x8x128xf32, #tpu.memory_space<vmem>>, vector<16xf32>,
        tpu.vector_store %arg12[%swap3A_263, %swap3A_264, %swap3A_265, %swap3A_266], %select_n3A_260 {strides = array<i32>} : memref<2x32x8x128xf32, #tpu.memory_space<vmem>>, vector<16xf32>,
        %select_n3A_268 = arith.select %le3A, %gather3A_249, %broadcast_in_dim3A_56 : vector<16xi1>, vector<16xf32>
        %swap3A_269 = arith.constant 0 : i32
        %swap3A_270 = arith.constant 1 : i32
        %swap3A_271 = arith.index_cast %swap3A_269 : i32 to index
        %swap3A_272 = arith.index_cast %select_n3A : i32 to index
        %swap3A_273 = arith.index_cast %swap3A_270 : i32 to index
        %swap3A_274 = arith.index_cast %add3A_259 : i32 to index
        %swap3A_275 = tpu.vector_load %arg12[%swap3A_271, %swap3A_272, %swap3A_273, %swap3A_274] {strides = array<i32>} : memref<2x32x8x128xf32, #tpu.memory_space<vmem>>, vector<16xf32>,
        tpu.vector_store %arg12[%swap3A_271, %swap3A_272, %swap3A_273, %swap3A_274], %select_n3A_268 {strides = array<i32>} : memref<2x32x8x128xf32, #tpu.memory_space<vmem>>, vector<16xf32>,
        %select_n3A_276 = arith.select %le3A, %gather3A_250, %broadcast_in_dim3A_56 : vector<16xi1>, vector<16xf32>
        %swap3A_277 = arith.constant 0 : i32
        %swap3A_278 = arith.constant 2 : i32
        %swap3A_279 = arith.index_cast %swap3A_277 : i32 to index
        %swap3A_280 = arith.index_cast %select_n3A : i32 to index
        %swap3A_281 = arith.index_cast %swap3A_278 : i32 to index
        %swap3A_282 = arith.index_cast %add3A_259 : i32 to index
        %swap3A_283 = tpu.vector_load %arg12[%swap3A_279, %swap3A_280, %swap3A_281, %swap3A_282] {strides = array<i32>} : memref<2x32x8x128xf32, #tpu.memory_space<vmem>>, vector<16xf32>,
        tpu.vector_store %arg12[%swap3A_279, %swap3A_280, %swap3A_281, %swap3A_282], %select_n3A_276 {strides = array<i32>} : memref<2x32x8x128xf32, #tpu.memory_space<vmem>>, vector<16xf32>,
        %select_n3A_284 = arith.select %le3A, %gather3A_251, %broadcast_in_dim3A_56 : vector<16xi1>, vector<16xf32>
        %swap3A_285 = arith.constant 0 : i32
        %swap3A_286 = arith.constant 3 : i32
        %swap3A_287 = arith.index_cast %swap3A_285 : i32 to index
        %swap3A_288 = arith.index_cast %select_n3A : i32 to index
        %swap3A_289 = arith.index_cast %swap3A_286 : i32 to index
        %swap3A_290 = arith.index_cast %add3A_259 : i32 to index
        %swap3A_291 = tpu.vector_load %arg12[%swap3A_287, %swap3A_288, %swap3A_289, %swap3A_290] {strides = array<i32>} : memref<2x32x8x128xf32, #tpu.memory_space<vmem>>, vector<16xf32>,
        tpu.vector_store %arg12[%swap3A_287, %swap3A_288, %swap3A_289, %swap3A_290], %select_n3A_284 {strides = array<i32>} : memref<2x32x8x128xf32, #tpu.memory_space<vmem>>, vector<16xf32>,
        %select_n3A_292 = arith.select %le3A, %gather3A_252, %broadcast_in_dim3A_56 : vector<16xi1>, vector<16xf32>
        %swap3A_293 = arith.constant 0 : i32
        %swap3A_294 = arith.constant 4 : i32
        %swap3A_295 = arith.index_cast %swap3A_293 : i32 to index
        %swap3A_296 = arith.index_cast %select_n3A : i32 to index
        %swap3A_297 = arith.index_cast %swap3A_294 : i32 to index
        %swap3A_298 = arith.index_cast %add3A_259 : i32 to index
        %swap3A_299 = tpu.vector_load %arg12[%swap3A_295, %swap3A_296, %swap3A_297, %swap3A_298] {strides = array<i32>} : memref<2x32x8x128xf32, #tpu.memory_space<vmem>>, vector<16xf32>,
        tpu.vector_store %arg12[%swap3A_295, %swap3A_296, %swap3A_297, %swap3A_298], %select_n3A_292 {strides = array<i32>} : memref<2x32x8x128xf32, #tpu.memory_space<vmem>>, vector<16xf32>,
        %select_n3A_300 = arith.select %le3A, %gather3A_253, %broadcast_in_dim3A_56 : vector<16xi1>, vector<16xf32>
        %swap3A_301 = arith.constant 0 : i32
        %swap3A_302 = arith.constant 5 : i32
        %swap3A_303 = arith.index_cast %swap3A_301 : i32 to index
        %swap3A_304 = arith.index_cast %select_n3A : i32 to index
        %swap3A_305 = arith.index_cast %swap3A_302 : i32 to index
        %swap3A_306 = arith.index_cast %add3A_259 : i32 to index
        %swap3A_307 = tpu.vector_load %arg12[%swap3A_303, %swap3A_304, %swap3A_305, %swap3A_306] {strides = array<i32>} : memref<2x32x8x128xf32, #tpu.memory_space<vmem>>, vector<16xf32>,
        tpu.vector_store %arg12[%swap3A_303, %swap3A_304, %swap3A_305, %swap3A_306], %select_n3A_300 {strides = array<i32>} : memref<2x32x8x128xf32, #tpu.memory_space<vmem>>, vector<16xf32>,
        %add3A_308 = arith.addf %gather3A, %get3A_255 : vector<16xf32>
        %select_n3A_309 = arith.select %le3A, %add3A_308, %broadcast_in_dim3A_56 : vector<16xi1>, vector<16xf32>
        %swap3A_310 = arith.constant 0 : i32
        %swap3A_311 = arith.constant 6 : i32
        %swap3A_312 = arith.index_cast %swap3A_310 : i32 to index
        %swap3A_313 = arith.index_cast %select_n3A : i32 to index
        %swap3A_314 = arith.index_cast %swap3A_311 : i32 to index
        %swap3A_315 = arith.index_cast %add3A_259 : i32 to index
        %swap3A_316 = tpu.vector_load %arg12[%swap3A_312, %swap3A_313, %swap3A_314, %swap3A_315] {strides = array<i32>} : memref<2x32x8x128xf32, #tpu.memory_space<vmem>>, vector<16xf32>,
        tpu.vector_store %arg12[%swap3A_312, %swap3A_313, %swap3A_314, %swap3A_315], %select_n3A_309 {strides = array<i32>} : memref<2x32x8x128xf32, #tpu.memory_space<vmem>>, vector<16xf32>,
        %add3A_317 = arith.addf %gather3A, %get3A_257 : vector<16xf32>
        %select_n3A_318 = arith.select %le3A, %add3A_317, %broadcast_in_dim3A_56 : vector<16xi1>, vector<16xf32>
        %swap3A_319 = arith.constant 0 : i32
        %swap3A_320 = arith.constant 7 : i32
        %swap3A_321 = arith.index_cast %swap3A_319 : i32 to index
        %swap3A_322 = arith.index_cast %select_n3A : i32 to index
        %swap3A_323 = arith.index_cast %swap3A_320 : i32 to index
        %swap3A_324 = arith.index_cast %add3A_259 : i32 to index
        %swap3A_325 = tpu.vector_load %arg12[%swap3A_321, %swap3A_322, %swap3A_323, %swap3A_324] {strides = array<i32>} : memref<2x32x8x128xf32, #tpu.memory_space<vmem>>, vector<16xf32>,
        tpu.vector_store %arg12[%swap3A_321, %swap3A_322, %swap3A_323, %swap3A_324], %select_n3A_318 {strides = array<i32>} : memref<2x32x8x128xf32, #tpu.memory_space<vmem>>, vector<16xf32>,
        %select_n3A_326 = arith.select %le3A, %broadcast_in_dim3A_70, %broadcast_in_dim3A_72 : vector<16xi1>, vector<16xi32>
        %mul3A_327 = arith.constant 64 : i32
        %mul3A_328 = arith.muli %scan3A_210, %mul3A_327 : i32
        %add3A_329 = arith.constant 0 : i32
        %add3A_330 = arith.addi %mul3A_328, %add3A_329 : i32
        %swap3A_331 = arith.index_cast %add3A_330 : i32 to index
        %swap3A_332 = tpu.vector_load %arg13[%swap3A_331] {strides = array<i32>} : memref<4096xi32, #tpu.memory_space<vmem>>, vector<16xi32>,
        tpu.vector_store %arg13[%swap3A_331], %select_n3A_326 {strides = array<i32>} : memref<4096xi32, #tpu.memory_space<vmem>>, vector<16xi32>,
        %get3A_333 = arith.constant 16 : index
        %get3A_334 = tpu.vector_load %arg9[%get3A_333] {strides = array<i32>} : memref<64xf32, #tpu.memory_space<vmem>>, vector<16xf32>,
        %get3A_335 = arith.constant 16 : index
        %get3A_336 = tpu.vector_load %arg10[%get3A_335] {strides = array<i32>} : memref<64xf32, #tpu.memory_space<vmem>>, vector<16xf32>,
        %le3A_337 = arith.cmpf ole, %get3A_336, %gather3A_247 : vector<16xf32>
        %add3A_338 = arith.constant 16 : i32
        %add3A_339 = arith.addi %mul3A_246, %add3A_338 : i32
        %select_n3A_340 = arith.select %le3A_337, %gather3A_248, %broadcast_in_dim3A_56 : vector<16xi1>, vector<16xf32>
        %swap3A_341 = arith.constant 0 : i32
        %swap3A_342 = arith.constant 0 : i32
        %swap3A_343 = arith.index_cast %swap3A_341 : i32 to index
        %swap3A_344 = arith.index_cast %select_n3A : i32 to index
        %swap3A_345 = arith.index_cast %swap3A_342 : i32 to index
        %swap3A_346 = arith.index_cast %add3A_339 : i32 to index
        %swap3A_347 = tpu.vector_load %arg12[%swap3A_343, %swap3A_344, %swap3A_345, %swap3A_346] {strides = array<i32>} : memref<2x32x8x128xf32, #tpu.memory_space<vmem>>, vector<16xf32>,
        tpu.vector_store %arg12[%swap3A_343, %swap3A_344, %swap3A_345, %swap3A_346], %select_n3A_340 {strides = array<i32>} : memref<2x32x8x128xf32, #tpu.memory_space<vmem>>, vector<16xf32>,
        %select_n3A_348 = arith.select %le3A_337, %gather3A_249, %broadcast_in_dim3A_56 : vector<16xi1>, vector<16xf32>
        %swap3A_349 = arith.constant 0 : i32
        %swap3A_350 = arith.constant 1 : i32
        %swap3A_351 = arith.index_cast %swap3A_349 : i32 to index
        %swap3A_352 = arith.index_cast %select_n3A : i32 to index
        %swap3A_353 = arith.index_cast %swap3A_350 : i32 to index
        %swap3A_354 = arith.index_cast %add3A_339 : i32 to index
        %swap3A_355 = tpu.vector_load %arg12[%swap3A_351, %swap3A_352, %swap3A_353, %swap3A_354] {strides = array<i32>} : memref<2x32x8x128xf32, #tpu.memory_space<vmem>>, vector<16xf32>,
        tpu.vector_store %arg12[%swap3A_351, %swap3A_352, %swap3A_353, %swap3A_354], %select_n3A_348 {strides = array<i32>} : memref<2x32x8x128xf32, #tpu.memory_space<vmem>>, vector<16xf32>,
        %select_n3A_356 = arith.select %le3A_337, %gather3A_250, %broadcast_in_dim3A_56 : vector<16xi1>, vector<16xf32>
        %swap3A_357 = arith.constant 0 : i32
        %swap3A_358 = arith.constant 2 : i32
        %swap3A_359 = arith.index_cast %swap3A_357 : i32 to index
        %swap3A_360 = arith.index_cast %select_n3A : i32 to index
        %swap3A_361 = arith.index_cast %swap3A_358 : i32 to index
        %swap3A_362 = arith.index_cast %add3A_339 : i32 to index
        %swap3A_363 = tpu.vector_load %arg12[%swap3A_359, %swap3A_360, %swap3A_361, %swap3A_362] {strides = array<i32>} : memref<2x32x8x128xf32, #tpu.memory_space<vmem>>, vector<16xf32>,
        tpu.vector_store %arg12[%swap3A_359, %swap3A_360, %swap3A_361, %swap3A_362], %select_n3A_356 {strides = array<i32>} : memref<2x32x8x128xf32, #tpu.memory_space<vmem>>, vector<16xf32>,
        %select_n3A_364 = arith.select %le3A_337, %gather3A_251, %broadcast_in_dim3A_56 : vector<16xi1>, vector<16xf32>
        %swap3A_365 = arith.constant 0 : i32
        %swap3A_366 = arith.constant 3 : i32
        %swap3A_367 = arith.index_cast %swap3A_365 : i32 to index
        %swap3A_368 = arith.index_cast %select_n3A : i32 to index
        %swap3A_369 = arith.index_cast %swap3A_366 : i32 to index
        %swap3A_370 = arith.index_cast %add3A_339 : i32 to index
        %swap3A_371 = tpu.vector_load %arg12[%swap3A_367, %swap3A_368, %swap3A_369, %swap3A_370] {strides = array<i32>} : memref<2x32x8x128xf32, #tpu.memory_space<vmem>>, vector<16xf32>,
        tpu.vector_store %arg12[%swap3A_367, %swap3A_368, %swap3A_369, %swap3A_370], %select_n3A_364 {strides = array<i32>} : memref<2x32x8x128xf32, #tpu.memory_space<vmem>>, vector<16xf32>,
        %select_n3A_372 = arith.select %le3A_337, %gather3A_252, %broadcast_in_dim3A_56 : vector<16xi1>, vector<16xf32>
        %swap3A_373 = arith.constant 0 : i32
        %swap3A_374 = arith.constant 4 : i32
        %swap3A_375 = arith.index_cast %swap3A_373 : i32 to index
        %swap3A_376 = arith.index_cast %select_n3A : i32 to index
        %swap3A_377 = arith.index_cast %swap3A_374 : i32 to index
        %swap3A_378 = arith.index_cast %add3A_339 : i32 to index
        %swap3A_379 = tpu.vector_load %arg12[%swap3A_375, %swap3A_376, %swap3A_377, %swap3A_378] {strides = array<i32>} : memref<2x32x8x128xf32, #tpu.memory_space<vmem>>, vector<16xf32>,
        tpu.vector_store %arg12[%swap3A_375, %swap3A_376, %swap3A_377, %swap3A_378], %select_n3A_372 {strides = array<i32>} : memref<2x32x8x128xf32, #tpu.memory_space<vmem>>, vector<16xf32>,
        %select_n3A_380 = arith.select %le3A_337, %gather3A_253, %broadcast_in_dim3A_56 : vector<16xi1>, vector<16xf32>
        %swap3A_381 = arith.constant 0 : i32
        %swap3A_382 = arith.constant 5 : i32
        %swap3A_383 = arith.index_cast %swap3A_381 : i32 to index
        %swap3A_384 = arith.index_cast %select_n3A : i32 to index
        %swap3A_385 = arith.index_cast %swap3A_382 : i32 to index
        %swap3A_386 = arith.index_cast %add3A_339 : i32 to index
        %swap3A_387 = tpu.vector_load %arg12[%swap3A_383, %swap3A_384, %swap3A_385, %swap3A_386] {strides = array<i32>} : memref<2x32x8x128xf32, #tpu.memory_space<vmem>>, vector<16xf32>,
        tpu.vector_store %arg12[%swap3A_383, %swap3A_384, %swap3A_385, %swap3A_386], %select_n3A_380 {strides = array<i32>} : memref<2x32x8x128xf32, #tpu.memory_space<vmem>>, vector<16xf32>,
        %add3A_388 = arith.addf %gather3A, %get3A_334 : vector<16xf32>
        %select_n3A_389 = arith.select %le3A_337, %add3A_388, %broadcast_in_dim3A_56 : vector<16xi1>, vector<16xf32>
        %swap3A_390 = arith.constant 0 : i32
        %swap3A_391 = arith.constant 6 : i32
        %swap3A_392 = arith.index_cast %swap3A_390 : i32 to index
        %swap3A_393 = arith.index_cast %select_n3A : i32 to index
        %swap3A_394 = arith.index_cast %swap3A_391 : i32 to index
        %swap3A_395 = arith.index_cast %add3A_339 : i32 to index
        %swap3A_396 = tpu.vector_load %arg12[%swap3A_392, %swap3A_393, %swap3A_394, %swap3A_395] {strides = array<i32>} : memref<2x32x8x128xf32, #tpu.memory_space<vmem>>, vector<16xf32>,
        tpu.vector_store %arg12[%swap3A_392, %swap3A_393, %swap3A_394, %swap3A_395], %select_n3A_389 {strides = array<i32>} : memref<2x32x8x128xf32, #tpu.memory_space<vmem>>, vector<16xf32>,
        %add3A_397 = arith.addf %gather3A, %get3A_336 : vector<16xf32>
        %select_n3A_398 = arith.select %le3A_337, %add3A_397, %broadcast_in_dim3A_56 : vector<16xi1>, vector<16xf32>
        %swap3A_399 = arith.constant 0 : i32
        %swap3A_400 = arith.constant 7 : i32
        %swap3A_401 = arith.index_cast %swap3A_399 : i32 to index
        %swap3A_402 = arith.index_cast %select_n3A : i32 to index
        %swap3A_403 = arith.index_cast %swap3A_400 : i32 to index
        %swap3A_404 = arith.index_cast %add3A_339 : i32 to index
        %swap3A_405 = tpu.vector_load %arg12[%swap3A_401, %swap3A_402, %swap3A_403, %swap3A_404] {strides = array<i32>} : memref<2x32x8x128xf32, #tpu.memory_space<vmem>>, vector<16xf32>,
        tpu.vector_store %arg12[%swap3A_401, %swap3A_402, %swap3A_403, %swap3A_404], %select_n3A_398 {strides = array<i32>} : memref<2x32x8x128xf32, #tpu.memory_space<vmem>>, vector<16xf32>,
        %select_n3A_406 = arith.select %le3A_337, %broadcast_in_dim3A_70, %broadcast_in_dim3A_72 : vector<16xi1>, vector<16xi32>
        %mul3A_407 = arith.constant 64 : i32
        %mul3A_408 = arith.muli %scan3A_210, %mul3A_407 : i32
        %add3A_409 = arith.constant 16 : i32
        %add3A_410 = arith.addi %mul3A_408, %add3A_409 : i32
        %swap3A_411 = arith.index_cast %add3A_410 : i32 to index
        %swap3A_412 = tpu.vector_load %arg13[%swap3A_411] {strides = array<i32>} : memref<4096xi32, #tpu.memory_space<vmem>>, vector<16xi32>,
        tpu.vector_store %arg13[%swap3A_411], %select_n3A_406 {strides = array<i32>} : memref<4096xi32, #tpu.memory_space<vmem>>, vector<16xi32>,
        %get3A_413 = arith.constant 32 : index
        %get3A_414 = tpu.vector_load %arg9[%get3A_413] {strides = array<i32>} : memref<64xf32, #tpu.memory_space<vmem>>, vector<16xf32>,
        %get3A_415 = arith.constant 32 : index
        %get3A_416 = tpu.vector_load %arg10[%get3A_415] {strides = array<i32>} : memref<64xf32, #tpu.memory_space<vmem>>, vector<16xf32>,
        %le3A_417 = arith.cmpf ole, %get3A_416, %gather3A_247 : vector<16xf32>
        %add3A_418 = arith.constant 32 : i32
        %add3A_419 = arith.addi %mul3A_246, %add3A_418 : i32
        %select_n3A_420 = arith.select %le3A_417, %gather3A_248, %broadcast_in_dim3A_56 : vector<16xi1>, vector<16xf32>
        %swap3A_421 = arith.constant 0 : i32
        %swap3A_422 = arith.constant 0 : i32
        %swap3A_423 = arith.index_cast %swap3A_421 : i32 to index
        %swap3A_424 = arith.index_cast %select_n3A : i32 to index
        %swap3A_425 = arith.index_cast %swap3A_422 : i32 to index
        %swap3A_426 = arith.index_cast %add3A_419 : i32 to index
        %swap3A_427 = tpu.vector_load %arg12[%swap3A_423, %swap3A_424, %swap3A_425, %swap3A_426] {strides = array<i32>} : memref<2x32x8x128xf32, #tpu.memory_space<vmem>>, vector<16xf32>,
        tpu.vector_store %arg12[%swap3A_423, %swap3A_424, %swap3A_425, %swap3A_426], %select_n3A_420 {strides = array<i32>} : memref<2x32x8x128xf32, #tpu.memory_space<vmem>>, vector<16xf32>,
        %select_n3A_428 = arith.select %le3A_417, %gather3A_249, %broadcast_in_dim3A_56 : vector<16xi1>, vector<16xf32>
        %swap3A_429 = arith.constant 0 : i32
        %swap3A_430 = arith.constant 1 : i32
        %swap3A_431 = arith.index_cast %swap3A_429 : i32 to index
        %swap3A_432 = arith.index_cast %select_n3A : i32 to index
        %swap3A_433 = arith.index_cast %swap3A_430 : i32 to index
        %swap3A_434 = arith.index_cast %add3A_419 : i32 to index
        %swap3A_435 = tpu.vector_load %arg12[%swap3A_431, %swap3A_432, %swap3A_433, %swap3A_434] {strides = array<i32>} : memref<2x32x8x128xf32, #tpu.memory_space<vmem>>, vector<16xf32>,
        tpu.vector_store %arg12[%swap3A_431, %swap3A_432, %swap3A_433, %swap3A_434], %select_n3A_428 {strides = array<i32>} : memref<2x32x8x128xf32, #tpu.memory_space<vmem>>, vector<16xf32>,
        %select_n3A_436 = arith.select %le3A_417, %gather3A_250, %broadcast_in_dim3A_56 : vector<16xi1>, vector<16xf32>
        %swap3A_437 = arith.constant 0 : i32
        %swap3A_438 = arith.constant 2 : i32
        %swap3A_439 = arith.index_cast %swap3A_437 : i32 to index
        %swap3A_440 = arith.index_cast %select_n3A : i32 to index
        %swap3A_441 = arith.index_cast %swap3A_438 : i32 to index
        %swap3A_442 = arith.index_cast %add3A_419 : i32 to index
        %swap3A_443 = tpu.vector_load %arg12[%swap3A_439, %swap3A_440, %swap3A_441, %swap3A_442] {strides = array<i32>} : memref<2x32x8x128xf32, #tpu.memory_space<vmem>>, vector<16xf32>,
        tpu.vector_store %arg12[%swap3A_439, %swap3A_440, %swap3A_441, %swap3A_442], %select_n3A_436 {strides = array<i32>} : memref<2x32x8x128xf32, #tpu.memory_space<vmem>>, vector<16xf32>,
        %select_n3A_444 = arith.select %le3A_417, %gather3A_251, %broadcast_in_dim3A_56 : vector<16xi1>, vector<16xf32>
        %swap3A_445 = arith.constant 0 : i32
        %swap3A_446 = arith.constant 3 : i32
        %swap3A_447 = arith.index_cast %swap3A_445 : i32 to index
        %swap3A_448 = arith.index_cast %select_n3A : i32 to index
        %swap3A_449 = arith.index_cast %swap3A_446 : i32 to index
        %swap3A_450 = arith.index_cast %add3A_419 : i32 to index
        %swap3A_451 = tpu.vector_load %arg12[%swap3A_447, %swap3A_448, %swap3A_449, %swap3A_450] {strides = array<i32>} : memref<2x32x8x128xf32, #tpu.memory_space<vmem>>, vector<16xf32>,
        tpu.vector_store %arg12[%swap3A_447, %swap3A_448, %swap3A_449, %swap3A_450], %select_n3A_444 {strides = array<i32>} : memref<2x32x8x128xf32, #tpu.memory_space<vmem>>, vector<16xf32>,
        %select_n3A_452 = arith.select %le3A_417, %gather3A_252, %broadcast_in_dim3A_56 : vector<16xi1>, vector<16xf32>
        %swap3A_453 = arith.constant 0 : i32
        %swap3A_454 = arith.constant 4 : i32
        %swap3A_455 = arith.index_cast %swap3A_453 : i32 to index
        %swap3A_456 = arith.index_cast %select_n3A : i32 to index
        %swap3A_457 = arith.index_cast %swap3A_454 : i32 to index
        %swap3A_458 = arith.index_cast %add3A_419 : i32 to index
        %swap3A_459 = tpu.vector_load %arg12[%swap3A_455, %swap3A_456, %swap3A_457, %swap3A_458] {strides = array<i32>} : memref<2x32x8x128xf32, #tpu.memory_space<vmem>>, vector<16xf32>,
        tpu.vector_store %arg12[%swap3A_455, %swap3A_456, %swap3A_457, %swap3A_458], %select_n3A_452 {strides = array<i32>} : memref<2x32x8x128xf32, #tpu.memory_space<vmem>>, vector<16xf32>,
        %select_n3A_460 = arith.select %le3A_417, %gather3A_253, %broadcast_in_dim3A_56 : vector<16xi1>, vector<16xf32>
        %swap3A_461 = arith.constant 0 : i32
        %swap3A_462 = arith.constant 5 : i32
        %swap3A_463 = arith.index_cast %swap3A_461 : i32 to index
        %swap3A_464 = arith.index_cast %select_n3A : i32 to index
        %swap3A_465 = arith.index_cast %swap3A_462 : i32 to index
        %swap3A_466 = arith.index_cast %add3A_419 : i32 to index
        %swap3A_467 = tpu.vector_load %arg12[%swap3A_463, %swap3A_464, %swap3A_465, %swap3A_466] {strides = array<i32>} : memref<2x32x8x128xf32, #tpu.memory_space<vmem>>, vector<16xf32>,
        tpu.vector_store %arg12[%swap3A_463, %swap3A_464, %swap3A_465, %swap3A_466], %select_n3A_460 {strides = array<i32>} : memref<2x32x8x128xf32, #tpu.memory_space<vmem>>, vector<16xf32>,
        %add3A_468 = arith.addf %gather3A, %get3A_414 : vector<16xf32>
        %select_n3A_469 = arith.select %le3A_417, %add3A_468, %broadcast_in_dim3A_56 : vector<16xi1>, vector<16xf32>
        %swap3A_470 = arith.constant 0 : i32
        %swap3A_471 = arith.constant 6 : i32
        %swap3A_472 = arith.index_cast %swap3A_470 : i32 to index
        %swap3A_473 = arith.index_cast %select_n3A : i32 to index
        %swap3A_474 = arith.index_cast %swap3A_471 : i32 to index
        %swap3A_475 = arith.index_cast %add3A_419 : i32 to index
        %swap3A_476 = tpu.vector_load %arg12[%swap3A_472, %swap3A_473, %swap3A_474, %swap3A_475] {strides = array<i32>} : memref<2x32x8x128xf32, #tpu.memory_space<vmem>>, vector<16xf32>,
        tpu.vector_store %arg12[%swap3A_472, %swap3A_473, %swap3A_474, %swap3A_475], %select_n3A_469 {strides = array<i32>} : memref<2x32x8x128xf32, #tpu.memory_space<vmem>>, vector<16xf32>,
        %add3A_477 = arith.addf %gather3A, %get3A_416 : vector<16xf32>
        %select_n3A_478 = arith.select %le3A_417, %add3A_477, %broadcast_in_dim3A_56 : vector<16xi1>, vector<16xf32>
        %swap3A_479 = arith.constant 0 : i32
        %swap3A_480 = arith.constant 7 : i32
        %swap3A_481 = arith.index_cast %swap3A_479 : i32 to index
        %swap3A_482 = arith.index_cast %select_n3A : i32 to index
        %swap3A_483 = arith.index_cast %swap3A_480 : i32 to index
        %swap3A_484 = arith.index_cast %add3A_419 : i32 to index
        %swap3A_485 = tpu.vector_load %arg12[%swap3A_481, %swap3A_482, %swap3A_483, %swap3A_484] {strides = array<i32>} : memref<2x32x8x128xf32, #tpu.memory_space<vmem>>, vector<16xf32>,
        tpu.vector_store %arg12[%swap3A_481, %swap3A_482, %swap3A_483, %swap3A_484], %select_n3A_478 {strides = array<i32>} : memref<2x32x8x128xf32, #tpu.memory_space<vmem>>, vector<16xf32>,
        %select_n3A_486 = arith.select %le3A_417, %broadcast_in_dim3A_70, %broadcast_in_dim3A_72 : vector<16xi1>, vector<16xi32>
        %mul3A_487 = arith.constant 64 : i32
        %mul3A_488 = arith.muli %scan3A_210, %mul3A_487 : i32
        %add3A_489 = arith.constant 32 : i32
        %add3A_490 = arith.addi %mul3A_488, %add3A_489 : i32
        %swap3A_491 = arith.index_cast %add3A_490 : i32 to index
        %swap3A_492 = tpu.vector_load %arg13[%swap3A_491] {strides = array<i32>} : memref<4096xi32, #tpu.memory_space<vmem>>, vector<16xi32>,
        tpu.vector_store %arg13[%swap3A_491], %select_n3A_486 {strides = array<i32>} : memref<4096xi32, #tpu.memory_space<vmem>>, vector<16xi32>,
        %get3A_493 = arith.constant 48 : index
        %get3A_494 = tpu.vector_load %arg9[%get3A_493] {strides = array<i32>} : memref<64xf32, #tpu.memory_space<vmem>>, vector<16xf32>,
        %get3A_495 = arith.constant 48 : index
        %get3A_496 = tpu.vector_load %arg10[%get3A_495] {strides = array<i32>} : memref<64xf32, #tpu.memory_space<vmem>>, vector<16xf32>,
        %le3A_497 = arith.cmpf ole, %get3A_496, %gather3A_247 : vector<16xf32>
        %add3A_498 = arith.constant 48 : i32
        %add3A_499 = arith.addi %mul3A_246, %add3A_498 : i32
        %select_n3A_500 = arith.select %le3A_497, %gather3A_248, %broadcast_in_dim3A_56 : vector<16xi1>, vector<16xf32>
        %swap3A_501 = arith.constant 0 : i32
        %swap3A_502 = arith.constant 0 : i32
        %swap3A_503 = arith.index_cast %swap3A_501 : i32 to index
        %swap3A_504 = arith.index_cast %select_n3A : i32 to index
        %swap3A_505 = arith.index_cast %swap3A_502 : i32 to index
        %swap3A_506 = arith.index_cast %add3A_499 : i32 to index
        %swap3A_507 = tpu.vector_load %arg12[%swap3A_503, %swap3A_504, %swap3A_505, %swap3A_506] {strides = array<i32>} : memref<2x32x8x128xf32, #tpu.memory_space<vmem>>, vector<16xf32>,
        tpu.vector_store %arg12[%swap3A_503, %swap3A_504, %swap3A_505, %swap3A_506], %select_n3A_500 {strides = array<i32>} : memref<2x32x8x128xf32, #tpu.memory_space<vmem>>, vector<16xf32>,
        %select_n3A_508 = arith.select %le3A_497, %gather3A_249, %broadcast_in_dim3A_56 : vector<16xi1>, vector<16xf32>
        %swap3A_509 = arith.constant 0 : i32
        %swap3A_510 = arith.constant 1 : i32
        %swap3A_511 = arith.index_cast %swap3A_509 : i32 to index
        %swap3A_512 = arith.index_cast %select_n3A : i32 to index
        %swap3A_513 = arith.index_cast %swap3A_510 : i32 to index
        %swap3A_514 = arith.index_cast %add3A_499 : i32 to index
        %swap3A_515 = tpu.vector_load %arg12[%swap3A_511, %swap3A_512, %swap3A_513, %swap3A_514] {strides = array<i32>} : memref<2x32x8x128xf32, #tpu.memory_space<vmem>>, vector<16xf32>,
        tpu.vector_store %arg12[%swap3A_511, %swap3A_512, %swap3A_513, %swap3A_514], %select_n3A_508 {strides = array<i32>} : memref<2x32x8x128xf32, #tpu.memory_space<vmem>>, vector<16xf32>,
        %select_n3A_516 = arith.select %le3A_497, %gather3A_250, %broadcast_in_dim3A_56 : vector<16xi1>, vector<16xf32>
        %swap3A_517 = arith.constant 0 : i32
        %swap3A_518 = arith.constant 2 : i32
        %swap3A_519 = arith.index_cast %swap3A_517 : i32 to index
        %swap3A_520 = arith.index_cast %select_n3A : i32 to index
        %swap3A_521 = arith.index_cast %swap3A_518 : i32 to index
        %swap3A_522 = arith.index_cast %add3A_499 : i32 to index
        %swap3A_523 = tpu.vector_load %arg12[%swap3A_519, %swap3A_520, %swap3A_521, %swap3A_522] {strides = array<i32>} : memref<2x32x8x128xf32, #tpu.memory_space<vmem>>, vector<16xf32>,
        tpu.vector_store %arg12[%swap3A_519, %swap3A_520, %swap3A_521, %swap3A_522], %select_n3A_516 {strides = array<i32>} : memref<2x32x8x128xf32, #tpu.memory_space<vmem>>, vector<16xf32>,
        %select_n3A_524 = arith.select %le3A_497, %gather3A_251, %broadcast_in_dim3A_56 : vector<16xi1>, vector<16xf32>
        %swap3A_525 = arith.constant 0 : i32
        %swap3A_526 = arith.constant 3 : i32
        %swap3A_527 = arith.index_cast %swap3A_525 : i32 to index
        %swap3A_528 = arith.index_cast %select_n3A : i32 to index
        %swap3A_529 = arith.index_cast %swap3A_526 : i32 to index
        %swap3A_530 = arith.index_cast %add3A_499 : i32 to index
        %swap3A_531 = tpu.vector_load %arg12[%swap3A_527, %swap3A_528, %swap3A_529, %swap3A_530] {strides = array<i32>} : memref<2x32x8x128xf32, #tpu.memory_space<vmem>>, vector<16xf32>,
        tpu.vector_store %arg12[%swap3A_527, %swap3A_528, %swap3A_529, %swap3A_530], %select_n3A_524 {strides = array<i32>} : memref<2x32x8x128xf32, #tpu.memory_space<vmem>>, vector<16xf32>,
        %select_n3A_532 = arith.select %le3A_497, %gather3A_252, %broadcast_in_dim3A_56 : vector<16xi1>, vector<16xf32>
        %swap3A_533 = arith.constant 0 : i32
        %swap3A_534 = arith.constant 4 : i32
        %swap3A_535 = arith.index_cast %swap3A_533 : i32 to index
        %swap3A_536 = arith.index_cast %select_n3A : i32 to index
        %swap3A_537 = arith.index_cast %swap3A_534 : i32 to index
        %swap3A_538 = arith.index_cast %add3A_499 : i32 to index
        %swap3A_539 = tpu.vector_load %arg12[%swap3A_535, %swap3A_536, %swap3A_537, %swap3A_538] {strides = array<i32>} : memref<2x32x8x128xf32, #tpu.memory_space<vmem>>, vector<16xf32>,
        tpu.vector_store %arg12[%swap3A_535, %swap3A_536, %swap3A_537, %swap3A_538], %select_n3A_532 {strides = array<i32>} : memref<2x32x8x128xf32, #tpu.memory_space<vmem>>, vector<16xf32>,
        %select_n3A_540 = arith.select %le3A_497, %gather3A_253, %broadcast_in_dim3A_56 : vector<16xi1>, vector<16xf32>
        %swap3A_541 = arith.constant 0 : i32
        %swap3A_542 = arith.constant 5 : i32
        %swap3A_543 = arith.index_cast %swap3A_541 : i32 to index
        %swap3A_544 = arith.index_cast %select_n3A : i32 to index
        %swap3A_545 = arith.index_cast %swap3A_542 : i32 to index
        %swap3A_546 = arith.index_cast %add3A_499 : i32 to index
        %swap3A_547 = tpu.vector_load %arg12[%swap3A_543, %swap3A_544, %swap3A_545, %swap3A_546] {strides = array<i32>} : memref<2x32x8x128xf32, #tpu.memory_space<vmem>>, vector<16xf32>,
        tpu.vector_store %arg12[%swap3A_543, %swap3A_544, %swap3A_545, %swap3A_546], %select_n3A_540 {strides = array<i32>} : memref<2x32x8x128xf32, #tpu.memory_space<vmem>>, vector<16xf32>,
        %add3A_548 = arith.addf %gather3A, %get3A_494 : vector<16xf32>
        %select_n3A_549 = arith.select %le3A_497, %add3A_548, %broadcast_in_dim3A_56 : vector<16xi1>, vector<16xf32>
        %swap3A_550 = arith.constant 0 : i32
        %swap3A_551 = arith.constant 6 : i32
        %swap3A_552 = arith.index_cast %swap3A_550 : i32 to index
        %swap3A_553 = arith.index_cast %select_n3A : i32 to index
        %swap3A_554 = arith.index_cast %swap3A_551 : i32 to index
        %swap3A_555 = arith.index_cast %add3A_499 : i32 to index
        %swap3A_556 = tpu.vector_load %arg12[%swap3A_552, %swap3A_553, %swap3A_554, %swap3A_555] {strides = array<i32>} : memref<2x32x8x128xf32, #tpu.memory_space<vmem>>, vector<16xf32>,
        tpu.vector_store %arg12[%swap3A_552, %swap3A_553, %swap3A_554, %swap3A_555], %select_n3A_549 {strides = array<i32>} : memref<2x32x8x128xf32, #tpu.memory_space<vmem>>, vector<16xf32>,
        %add3A_557 = arith.addf %gather3A, %get3A_496 : vector<16xf32>
        %select_n3A_558 = arith.select %le3A_497, %add3A_557, %broadcast_in_dim3A_56 : vector<16xi1>, vector<16xf32>
        %swap3A_559 = arith.constant 0 : i32
        %swap3A_560 = arith.constant 7 : i32
        %swap3A_561 = arith.index_cast %swap3A_559 : i32 to index
        %swap3A_562 = arith.index_cast %select_n3A : i32 to index
        %swap3A_563 = arith.index_cast %swap3A_560 : i32 to index
        %swap3A_564 = arith.index_cast %add3A_499 : i32 to index
        %swap3A_565 = tpu.vector_load %arg12[%swap3A_561, %swap3A_562, %swap3A_563, %swap3A_564] {strides = array<i32>} : memref<2x32x8x128xf32, #tpu.memory_space<vmem>>, vector<16xf32>,
        tpu.vector_store %arg12[%swap3A_561, %swap3A_562, %swap3A_563, %swap3A_564], %select_n3A_558 {strides = array<i32>} : memref<2x32x8x128xf32, #tpu.memory_space<vmem>>, vector<16xf32>,
        %select_n3A_566 = arith.select %le3A_497, %broadcast_in_dim3A_70, %broadcast_in_dim3A_72 : vector<16xi1>, vector<16xi32>
        %mul3A_567 = arith.constant 64 : i32
        %mul3A_568 = arith.muli %scan3A_210, %mul3A_567 : i32
        %add3A_569 = arith.constant 48 : i32
        %add3A_570 = arith.addi %mul3A_568, %add3A_569 : i32
        %swap3A_571 = arith.index_cast %add3A_570 : i32 to index
        %swap3A_572 = tpu.vector_load %arg13[%swap3A_571] {strides = array<i32>} : memref<4096xi32, #tpu.memory_space<vmem>>, vector<16xi32>,
        tpu.vector_store %arg13[%swap3A_571], %select_n3A_566 {strides = array<i32>} : memref<4096xi32, #tpu.memory_space<vmem>>, vector<16xi32>,
      }
      %scan3A_137 = arith.constant 64 : i32
      %mul3A_138 = arith.constant 1024 : i32
      %mul3A_139 = arith.muli %add3A, %mul3A_138 : i32
      %mul3A_140 = arith.constant 32 : i32
      %mul3A_141 = arith.muli %add3A_128, %mul3A_140 : i32
      %add3A_142 = arith.addi %mul3A_139, %mul3A_141 : i32
      %mul3A_143 = arith.constant 64 : i32
      %mul3A_144 = arith.muli %add3A_128, %mul3A_143 : i32
      %add3A_145 = arith.addi %mul3A_2, %mul3A_144 : i32
      %mul3A_146 = arith.constant 64 : i32
      %mul3A_147 = arith.muli %add3A_145, %mul3A_146 : i32
      %dma_start3A = arith.constant 0 : i32
      %dma_start3A_148 = arith.constant 0 : i32
      %dma_start3A_149 = arith.constant 0 : i32
      %dma_start3A_150 = arith.constant 0 : i32
      %dma_start3A_151 = tpu.memref_slice %arg12[%dma_start3A, %dma_start3A_148, %dma_start3A_149, %dma_start3A_150] : memref<2x32x8x128xf32, #tpu.memory_space<vmem>> -> memref<1x32x8x128xf32, #tpu.memory_space<vmem>>
      %dma_start3A_152 = tpu.memref_squeeze %dma_start3A_151 : memref<1x32x8x128xf32, #tpu.memory_space<vmem>> -> memref<32x8x128xf32, #tpu.memory_space<vmem>>
      %dma_start3A_153 = arith.constant 0 : i32
      %dma_start3A_154 = arith.constant 0 : i32
      %dma_start3A_155 = tpu.memref_slice %arg4[%add3A_142, %dma_start3A_153, %dma_start3A_154] : memref<32768x8x128xf32, #tpu.memory_space<hbm>> -> memref<32x8x128xf32, #tpu.memory_space<hbm>>
      %dma_start3A_156 = arith.constant 0 : i32
      %dma_start3A_157 = arith.constant 0 : i32
      %dma_start3A_158 = tpu.memref_slice %arg4[%add3A_142, %dma_start3A_156, %dma_start3A_157] : memref<32768x8x128xf32, #tpu.memory_space<hbm>> -> memref<32x8x128xf32, #tpu.memory_space<hbm>>
      %dma_start3A_159 = arith.constant 0 : i32
      %dma_start3A_160 = arith.constant 0 : i32
      %dma_start3A_161 = arith.constant 0 : i32
      %dma_start3A_162 = tpu.memref_slice %arg12[%dma_start3A, %dma_start3A_159, %dma_start3A_160, %dma_start3A_161] : memref<2x32x8x128xf32, #tpu.memory_space<vmem>> -> memref<1x32x8x128xf32, #tpu.memory_space<vmem>>
      %dma_start3A_163 = tpu.memref_squeeze %dma_start3A_162 : memref<1x32x8x128xf32, #tpu.memory_space<vmem>> -> memref<32x8x128xf32, #tpu.memory_space<vmem>>
      tpu.enqueue_dma source(%dma_start3A_163 : memref<32x8x128xf32, #tpu.memory_space<vmem>>) target(%dma_start3A_158 : memref<32x8x128xf32, #tpu.memory_space<hbm>>) target_semaphore(%arg15 : memref<!tpu.dma_semaphore, #tpu.memory_space<semaphore_mem>>)
      %dma_start3A_164 = tpu.memref_slice %arg5[%mul3A_147] : memref<4194304xi32, #tpu.memory_space<hbm>> -> memref<4096xi32, #tpu.memory_space<hbm>>
      %dma_start3A_165 = tpu.memref_slice %arg5[%mul3A_147] : memref<4194304xi32, #tpu.memory_space<hbm>> -> memref<4096xi32, #tpu.memory_space<hbm>>
      tpu.enqueue_dma source(%arg13 : memref<4096xi32, #tpu.memory_space<vmem>>) target(%dma_start3A_165 : memref<4096xi32, #tpu.memory_space<hbm>>) target_semaphore(%arg17 : memref<!tpu.dma_semaphore, #tpu.memory_space<semaphore_mem>>)
      %mul3A_166 = arith.constant 2 : i32
      %mul3A_167 = arith.muli %scan3A_124, %mul3A_166 : i32
      %add3A_168 = arith.constant 1 : i32
      %add3A_169 = arith.addi %mul3A_167, %add3A_168 : i32
      %gt3A_170 = arith.constant 0 : i32
      %gt3A_171 = arith.cmpi sgt, %scan3A_124, %gt3A_170 : i32
      %convert_element_type3A_172 = arith.extui %gt3A_171 : i1 to i32
      %cond3A_173 = arith.constant 0 : i32
      %cond3A_174 = arith.cmpi ne, %convert_element_type3A_172, %cond3A_173 : i32
      scf.if %cond3A_174 {
        %dma_wait3A_210 = arith.constant 1 : i32
        %dma_wait3A_211 = arith.constant 0 : i32
        %dma_wait3A_212 = arith.constant 0 : i32
        %dma_wait3A_213 = arith.constant 0 : i32
        %dma_wait3A_214 = tpu.memref_slice %arg12[%dma_wait3A_210, %dma_wait3A_211, %dma_wait3A_212, %dma_wait3A_213] : memref<2x32x8x128xf32, #tpu.memory_space<vmem>> -> memref<1x32x8x128xf32, #tpu.memory_space<vmem>>
        %dma_wait3A_215 = tpu.memref_squeeze %dma_wait3A_214 : memref<1x32x8x128xf32, #tpu.memory_space<vmem>> -> memref<32x8x128xf32, #tpu.memory_space<vmem>>
        %dma_wait3A_216 = arith.constant 0 : i32
        %dma_wait3A_217 = arith.constant 0 : i32
        %dma_wait3A_218 = arith.constant 0 : i32
        %dma_wait3A_219 = tpu.memref_slice %arg4[%dma_wait3A_216, %dma_wait3A_217, %dma_wait3A_218] : memref<32768x8x128xf32, #tpu.memory_space<hbm>> -> memref<32x8x128xf32, #tpu.memory_space<hbm>>
        %dma_wait3A_220 = arith.constant 0 : i32
        %dma_wait3A_221 = arith.constant 0 : i32
        %dma_wait3A_222 = arith.constant 0 : i32
        %dma_wait3A_223 = tpu.memref_slice %arg4[%dma_wait3A_220, %dma_wait3A_221, %dma_wait3A_222] : memref<32768x8x128xf32, #tpu.memory_space<hbm>> -> memref<32x8x128xf32, #tpu.memory_space<hbm>>
        %dma_wait3A_224 = arith.constant 0 : i32
        %dma_wait3A_225 = arith.constant 0 : i32
        %dma_wait3A_226 = arith.constant 0 : i32
        %dma_wait3A_227 = tpu.memref_slice %arg12[%dma_wait3A_210, %dma_wait3A_224, %dma_wait3A_225, %dma_wait3A_226] : memref<2x32x8x128xf32, #tpu.memory_space<vmem>> -> memref<1x32x8x128xf32, #tpu.memory_space<vmem>>
        %dma_wait3A_228 = tpu.memref_squeeze %dma_wait3A_227 : memref<1x32x8x128xf32, #tpu.memory_space<vmem>> -> memref<32x8x128xf32, #tpu.memory_space<vmem>>
        tpu.wait_dma2 semaphore(%arg16 : memref<!tpu.dma_semaphore, #tpu.memory_space<semaphore_mem>>) src(%dma_wait3A_228 : memref<32x8x128xf32, #tpu.memory_space<vmem>>) dst(%dma_wait3A_223 : memref<32x8x128xf32, #tpu.memory_space<hbm>>)
        %dma_wait3A_229 = arith.constant 0 : i32
        %dma_wait3A_230 = tpu.memref_slice %arg5[%dma_wait3A_229] : memref<4194304xi32, #tpu.memory_space<hbm>> -> memref<4096xi32, #tpu.memory_space<hbm>>
        %dma_wait3A_231 = arith.constant 0 : i32
        %dma_wait3A_232 = tpu.memref_slice %arg5[%dma_wait3A_231] : memref<4194304xi32, #tpu.memory_space<hbm>> -> memref<4096xi32, #tpu.memory_space<hbm>>
        tpu.wait_dma2 semaphore(%arg18 : memref<!tpu.dma_semaphore, #tpu.memory_space<semaphore_mem>>) src(%arg14 : memref<4096xi32, #tpu.memory_space<vmem>>) dst(%dma_wait3A_232 : memref<4096xi32, #tpu.memory_space<hbm>>)
      } else {
      }
      %scan3A_175 = arith.constant 0 : i32
      %scan3A_176 = arith.constant 0 : i32
      %scan3A_177 = arith.constant 64 : i32
      %scan3A_178 = arith.addi %scan3A_176, %scan3A_177 : i32
      %scan3A_179 = arith.constant 1 : i32
      scf.for %scan3A_210 = %scan3A_176 to %scan3A_178 step %scan3A_179  : i32 {
        %mul3A_211 = arith.constant 64 : i32
        %mul3A_212 = arith.muli %add3A_169, %mul3A_211 : i32
        %add3A_213 = arith.addi %mul3A_212, %scan3A_210 : i32
        %broadcast_in_dim3A_214 = vector.broadcast %add3A_213 : i32 to vector<16xi32>
        %jit3A = arith.constant 2 : i32
        %div3A = arith.divsi %scan3A_210, %jit3A : i32
        %sign3A = arith.constant 0 : i32
        %sign3A_215 = arith.cmpi sgt, %scan3A_210, %sign3A : i32
        %sign3A_216 = arith.extui %sign3A_215 : i1 to i32
        %sign3A_217 = arith.constant 0 : i32
        %sign3A_218 = arith.cmpi slt, %scan3A_210, %sign3A_217 : i32
        %sign3A_219 = arith.extui %sign3A_218 : i1 to i32
        %sign3A_220 = arith.subi %sign3A_216, %sign3A_219 : i32
        %sign3A_221 = arith.constant 0 : i32
        %sign3A_222 = arith.cmpi sgt, %jit3A, %sign3A_221 : i32
        %sign3A_223 = arith.extui %sign3A_222 : i1 to i32
        %sign3A_224 = arith.constant 0 : i32
        %sign3A_225 = arith.cmpi slt, %jit3A, %sign3A_224 : i32
        %sign3A_226 = arith.extui %sign3A_225 : i1 to i32
        %sign3A_227 = arith.subi %sign3A_223, %sign3A_226 : i32
        %ne3A = arith.cmpi ne, %sign3A_220, %sign3A_227 : i32
        %rem3A = arith.remsi %scan3A_210, %jit3A : i32
        %ne3A_228 = arith.constant 0 : i32
        %ne3A_229 = arith.cmpi ne, %rem3A, %ne3A_228 : i32
        %and3A = arith.andi %ne3A, %ne3A_229 : i1
        %sub3A = arith.constant 1 : i32
        %sub3A_230 = arith.subi %div3A, %sub3A : i32
        %select_n3A = arith.select %and3A, %sub3A_230, %div3A : i32
        %jit3A_231 = arith.constant 2 : i32
        %eq3A = arith.constant 0 : i32
        %eq3A_232 = arith.cmpi eq, %jit3A_231, %eq3A : i32
        %jit3A_233 = arith.constant 1 : i32
        %select_n3A_234 = arith.select %eq3A_232, %jit3A_233, %jit3A_231 : i32
        %rem3A_235 = arith.remsi %scan3A_210, %select_n3A_234 : i32
        %ne3A_236 = arith.constant 0 : i32
        %ne3A_237 = arith.cmpi ne, %rem3A_235, %ne3A_236 : i32
        %lt3A = arith.constant 0 : i32
        %lt3A_238 = arith.cmpi slt, %rem3A_235, %lt3A : i32
        %lt3A_239 = arith.constant 0 : i32
        %lt3A_240 = arith.cmpi slt, %select_n3A_234, %lt3A_239 : i32
        %ne3A_241 = arith.xori %lt3A_238, %lt3A_240 : i1
        %and3A_242 = arith.andi %ne3A_241, %ne3A_237 : i1
        %add3A_243 = arith.addi %rem3A_235, %select_n3A_234 : i32
        %select_n3A_244 = arith.select %and3A_242, %add3A_243, %rem3A_235 : i32
        %mul3A_245 = arith.constant 64 : i32
        %mul3A_246 = arith.muli %select_n3A_244, %mul3A_245 : i32
        %gather3A = tpu.vector_load_idx %arg7[%broadcast_in_dim3A_214] : memref<2048xf32, #tpu.memory_space<vmem>>[vector<16xi32>], vector<16xf32>,
        %gather3A_247 = tpu.vector_load_idx %arg8[%broadcast_in_dim3A_214] : memref<2048xf32, #tpu.memory_space<vmem>>[vector<16xi32>], vector<16xf32>,
        %gather3A_248 = tpu.vector_load_idx %arg6[%broadcast_in_dim3A_58, %broadcast_in_dim3A_214] : memref<6x2048xf32, #tpu.memory_space<vmem>>[vector<16xi32>, vector<16xi32>], vector<16xf32>,
        %gather3A_249 = tpu.vector_load_idx %arg6[%broadcast_in_dim3A_60, %broadcast_in_dim3A_214] : memref<6x2048xf32, #tpu.memory_space<vmem>>[vector<16xi32>, vector<16xi32>], vector<16xf32>,
        %gather3A_250 = tpu.vector_load_idx %arg6[%broadcast_in_dim3A_62, %broadcast_in_dim3A_214] : memref<6x2048xf32, #tpu.memory_space<vmem>>[vector<16xi32>, vector<16xi32>], vector<16xf32>,
        %gather3A_251 = tpu.vector_load_idx %arg6[%broadcast_in_dim3A_64, %broadcast_in_dim3A_214] : memref<6x2048xf32, #tpu.memory_space<vmem>>[vector<16xi32>, vector<16xi32>], vector<16xf32>,
        %gather3A_252 = tpu.vector_load_idx %arg6[%broadcast_in_dim3A_66, %broadcast_in_dim3A_214] : memref<6x2048xf32, #tpu.memory_space<vmem>>[vector<16xi32>, vector<16xi32>], vector<16xf32>,
        %gather3A_253 = tpu.vector_load_idx %arg6[%broadcast_in_dim3A_68, %broadcast_in_dim3A_214] : memref<6x2048xf32, #tpu.memory_space<vmem>>[vector<16xi32>, vector<16xi32>], vector<16xf32>,
        %get3A_254 = arith.constant 0 : index
        %get3A_255 = tpu.vector_load %arg9[%get3A_254] {strides = array<i32>} : memref<64xf32, #tpu.memory_space<vmem>>, vector<16xf32>,
        %get3A_256 = arith.constant 0 : index
        %get3A_257 = tpu.vector_load %arg10[%get3A_256] {strides = array<i32>} : memref<64xf32, #tpu.memory_space<vmem>>, vector<16xf32>,
        %le3A = arith.cmpf ole, %get3A_257, %gather3A_247 : vector<16xf32>
        %add3A_258 = arith.constant 0 : i32
        %add3A_259 = arith.addi %mul3A_246, %add3A_258 : i32
        %select_n3A_260 = arith.select %le3A, %gather3A_248, %broadcast_in_dim3A_56 : vector<16xi1>, vector<16xf32>
        %swap3A_261 = arith.constant 1 : i32
        %swap3A_262 = arith.constant 0 : i32
        %swap3A_263 = arith.index_cast %swap3A_261 : i32 to index
        %swap3A_264 = arith.index_cast %select_n3A : i32 to index
        %swap3A_265 = arith.index_cast %swap3A_262 : i32 to index
        %swap3A_266 = arith.index_cast %add3A_259 : i32 to index
        %swap3A_267 = tpu.vector_load %arg12[%swap3A_263, %swap3A_264, %swap3A_265, %swap3A_266] {strides = array<i32>} : memref<2x32x8x128xf32, #tpu.memory_space<vmem>>, vector<16xf32>,
        tpu.vector_store %arg12[%swap3A_263, %swap3A_264, %swap3A_265, %swap3A_266], %select_n3A_260 {strides = array<i32>} : memref<2x32x8x128xf32, #tpu.memory_space<vmem>>, vector<16xf32>,
        %select_n3A_268 = arith.select %le3A, %gather3A_249, %broadcast_in_dim3A_56 : vector<16xi1>, vector<16xf32>
        %swap3A_269 = arith.constant 1 : i32
        %swap3A_270 = arith.constant 1 : i32
        %swap3A_271 = arith.index_cast %swap3A_269 : i32 to index
        %swap3A_272 = arith.index_cast %select_n3A : i32 to index
        %swap3A_273 = arith.index_cast %swap3A_270 : i32 to index
        %swap3A_274 = arith.index_cast %add3A_259 : i32 to index
        %swap3A_275 = tpu.vector_load %arg12[%swap3A_271, %swap3A_272, %swap3A_273, %swap3A_274] {strides = array<i32>} : memref<2x32x8x128xf32, #tpu.memory_space<vmem>>, vector<16xf32>,
        tpu.vector_store %arg12[%swap3A_271, %swap3A_272, %swap3A_273, %swap3A_274], %select_n3A_268 {strides = array<i32>} : memref<2x32x8x128xf32, #tpu.memory_space<vmem>>, vector<16xf32>,
        %select_n3A_276 = arith.select %le3A, %gather3A_250, %broadcast_in_dim3A_56 : vector<16xi1>, vector<16xf32>
        %swap3A_277 = arith.constant 1 : i32
        %swap3A_278 = arith.constant 2 : i32
        %swap3A_279 = arith.index_cast %swap3A_277 : i32 to index
        %swap3A_280 = arith.index_cast %select_n3A : i32 to index
        %swap3A_281 = arith.index_cast %swap3A_278 : i32 to index
        %swap3A_282 = arith.index_cast %add3A_259 : i32 to index
        %swap3A_283 = tpu.vector_load %arg12[%swap3A_279, %swap3A_280, %swap3A_281, %swap3A_282] {strides = array<i32>} : memref<2x32x8x128xf32, #tpu.memory_space<vmem>>, vector<16xf32>,
        tpu.vector_store %arg12[%swap3A_279, %swap3A_280, %swap3A_281, %swap3A_282], %select_n3A_276 {strides = array<i32>} : memref<2x32x8x128xf32, #tpu.memory_space<vmem>>, vector<16xf32>,
        %select_n3A_284 = arith.select %le3A, %gather3A_251, %broadcast_in_dim3A_56 : vector<16xi1>, vector<16xf32>
        %swap3A_285 = arith.constant 1 : i32
        %swap3A_286 = arith.constant 3 : i32
        %swap3A_287 = arith.index_cast %swap3A_285 : i32 to index
        %swap3A_288 = arith.index_cast %select_n3A : i32 to index
        %swap3A_289 = arith.index_cast %swap3A_286 : i32 to index
        %swap3A_290 = arith.index_cast %add3A_259 : i32 to index
        %swap3A_291 = tpu.vector_load %arg12[%swap3A_287, %swap3A_288, %swap3A_289, %swap3A_290] {strides = array<i32>} : memref<2x32x8x128xf32, #tpu.memory_space<vmem>>, vector<16xf32>,
        tpu.vector_store %arg12[%swap3A_287, %swap3A_288, %swap3A_289, %swap3A_290], %select_n3A_284 {strides = array<i32>} : memref<2x32x8x128xf32, #tpu.memory_space<vmem>>, vector<16xf32>,
        %select_n3A_292 = arith.select %le3A, %gather3A_252, %broadcast_in_dim3A_56 : vector<16xi1>, vector<16xf32>
        %swap3A_293 = arith.constant 1 : i32
        %swap3A_294 = arith.constant 4 : i32
        %swap3A_295 = arith.index_cast %swap3A_293 : i32 to index
        %swap3A_296 = arith.index_cast %select_n3A : i32 to index
        %swap3A_297 = arith.index_cast %swap3A_294 : i32 to index
        %swap3A_298 = arith.index_cast %add3A_259 : i32 to index
        %swap3A_299 = tpu.vector_load %arg12[%swap3A_295, %swap3A_296, %swap3A_297, %swap3A_298] {strides = array<i32>} : memref<2x32x8x128xf32, #tpu.memory_space<vmem>>, vector<16xf32>,
        tpu.vector_store %arg12[%swap3A_295, %swap3A_296, %swap3A_297, %swap3A_298], %select_n3A_292 {strides = array<i32>} : memref<2x32x8x128xf32, #tpu.memory_space<vmem>>, vector<16xf32>,
        %select_n3A_300 = arith.select %le3A, %gather3A_253, %broadcast_in_dim3A_56 : vector<16xi1>, vector<16xf32>
        %swap3A_301 = arith.constant 1 : i32
        %swap3A_302 = arith.constant 5 : i32
        %swap3A_303 = arith.index_cast %swap3A_301 : i32 to index
        %swap3A_304 = arith.index_cast %select_n3A : i32 to index
        %swap3A_305 = arith.index_cast %swap3A_302 : i32 to index
        %swap3A_306 = arith.index_cast %add3A_259 : i32 to index
        %swap3A_307 = tpu.vector_load %arg12[%swap3A_303, %swap3A_304, %swap3A_305, %swap3A_306] {strides = array<i32>} : memref<2x32x8x128xf32, #tpu.memory_space<vmem>>, vector<16xf32>,
        tpu.vector_store %arg12[%swap3A_303, %swap3A_304, %swap3A_305, %swap3A_306], %select_n3A_300 {strides = array<i32>} : memref<2x32x8x128xf32, #tpu.memory_space<vmem>>, vector<16xf32>,
        %add3A_308 = arith.addf %gather3A, %get3A_255 : vector<16xf32>
        %select_n3A_309 = arith.select %le3A, %add3A_308, %broadcast_in_dim3A_56 : vector<16xi1>, vector<16xf32>
        %swap3A_310 = arith.constant 1 : i32
        %swap3A_311 = arith.constant 6 : i32
        %swap3A_312 = arith.index_cast %swap3A_310 : i32 to index
        %swap3A_313 = arith.index_cast %select_n3A : i32 to index
        %swap3A_314 = arith.index_cast %swap3A_311 : i32 to index
        %swap3A_315 = arith.index_cast %add3A_259 : i32 to index
        %swap3A_316 = tpu.vector_load %arg12[%swap3A_312, %swap3A_313, %swap3A_314, %swap3A_315] {strides = array<i32>} : memref<2x32x8x128xf32, #tpu.memory_space<vmem>>, vector<16xf32>,
        tpu.vector_store %arg12[%swap3A_312, %swap3A_313, %swap3A_314, %swap3A_315], %select_n3A_309 {strides = array<i32>} : memref<2x32x8x128xf32, #tpu.memory_space<vmem>>, vector<16xf32>,
        %add3A_317 = arith.addf %gather3A, %get3A_257 : vector<16xf32>
        %select_n3A_318 = arith.select %le3A, %add3A_317, %broadcast_in_dim3A_56 : vector<16xi1>, vector<16xf32>
        %swap3A_319 = arith.constant 1 : i32
        %swap3A_320 = arith.constant 7 : i32
        %swap3A_321 = arith.index_cast %swap3A_319 : i32 to index
        %swap3A_322 = arith.index_cast %select_n3A : i32 to index
        %swap3A_323 = arith.index_cast %swap3A_320 : i32 to index
        %swap3A_324 = arith.index_cast %add3A_259 : i32 to index
        %swap3A_325 = tpu.vector_load %arg12[%swap3A_321, %swap3A_322, %swap3A_323, %swap3A_324] {strides = array<i32>} : memref<2x32x8x128xf32, #tpu.memory_space<vmem>>, vector<16xf32>,
        tpu.vector_store %arg12[%swap3A_321, %swap3A_322, %swap3A_323, %swap3A_324], %select_n3A_318 {strides = array<i32>} : memref<2x32x8x128xf32, #tpu.memory_space<vmem>>, vector<16xf32>,
        %select_n3A_326 = arith.select %le3A, %broadcast_in_dim3A_70, %broadcast_in_dim3A_72 : vector<16xi1>, vector<16xi32>
        %mul3A_327 = arith.constant 64 : i32
        %mul3A_328 = arith.muli %scan3A_210, %mul3A_327 : i32
        %add3A_329 = arith.constant 0 : i32
        %add3A_330 = arith.addi %mul3A_328, %add3A_329 : i32
        %swap3A_331 = arith.index_cast %add3A_330 : i32 to index
        %swap3A_332 = tpu.vector_load %arg14[%swap3A_331] {strides = array<i32>} : memref<4096xi32, #tpu.memory_space<vmem>>, vector<16xi32>,
        tpu.vector_store %arg14[%swap3A_331], %select_n3A_326 {strides = array<i32>} : memref<4096xi32, #tpu.memory_space<vmem>>, vector<16xi32>,
        %get3A_333 = arith.constant 16 : index
        %get3A_334 = tpu.vector_load %arg9[%get3A_333] {strides = array<i32>} : memref<64xf32, #tpu.memory_space<vmem>>, vector<16xf32>,
        %get3A_335 = arith.constant 16 : index
        %get3A_336 = tpu.vector_load %arg10[%get3A_335] {strides = array<i32>} : memref<64xf32, #tpu.memory_space<vmem>>, vector<16xf32>,
        %le3A_337 = arith.cmpf ole, %get3A_336, %gather3A_247 : vector<16xf32>
        %add3A_338 = arith.constant 16 : i32
        %add3A_339 = arith.addi %mul3A_246, %add3A_338 : i32
        %select_n3A_340 = arith.select %le3A_337, %gather3A_248, %broadcast_in_dim3A_56 : vector<16xi1>, vector<16xf32>
        %swap3A_341 = arith.constant 1 : i32
        %swap3A_342 = arith.constant 0 : i32
        %swap3A_343 = arith.index_cast %swap3A_341 : i32 to index
        %swap3A_344 = arith.index_cast %select_n3A : i32 to index
        %swap3A_345 = arith.index_cast %swap3A_342 : i32 to index
        %swap3A_346 = arith.index_cast %add3A_339 : i32 to index
        %swap3A_347 = tpu.vector_load %arg12[%swap3A_343, %swap3A_344, %swap3A_345, %swap3A_346] {strides = array<i32>} : memref<2x32x8x128xf32, #tpu.memory_space<vmem>>, vector<16xf32>,
        tpu.vector_store %arg12[%swap3A_343, %swap3A_344, %swap3A_345, %swap3A_346], %select_n3A_340 {strides = array<i32>} : memref<2x32x8x128xf32, #tpu.memory_space<vmem>>, vector<16xf32>,
        %select_n3A_348 = arith.select %le3A_337, %gather3A_249, %broadcast_in_dim3A_56 : vector<16xi1>, vector<16xf32>
        %swap3A_349 = arith.constant 1 : i32
        %swap3A_350 = arith.constant 1 : i32
        %swap3A_351 = arith.index_cast %swap3A_349 : i32 to index
        %swap3A_352 = arith.index_cast %select_n3A : i32 to index
        %swap3A_353 = arith.index_cast %swap3A_350 : i32 to index
        %swap3A_354 = arith.index_cast %add3A_339 : i32 to index
        %swap3A_355 = tpu.vector_load %arg12[%swap3A_351, %swap3A_352, %swap3A_353, %swap3A_354] {strides = array<i32>} : memref<2x32x8x128xf32, #tpu.memory_space<vmem>>, vector<16xf32>,
        tpu.vector_store %arg12[%swap3A_351, %swap3A_352, %swap3A_353, %swap3A_354], %select_n3A_348 {strides = array<i32>} : memref<2x32x8x128xf32, #tpu.memory_space<vmem>>, vector<16xf32>,
        %select_n3A_356 = arith.select %le3A_337, %gather3A_250, %broadcast_in_dim3A_56 : vector<16xi1>, vector<16xf32>
        %swap3A_357 = arith.constant 1 : i32
        %swap3A_358 = arith.constant 2 : i32
        %swap3A_359 = arith.index_cast %swap3A_357 : i32 to index
        %swap3A_360 = arith.index_cast %select_n3A : i32 to index
        %swap3A_361 = arith.index_cast %swap3A_358 : i32 to index
        %swap3A_362 = arith.index_cast %add3A_339 : i32 to index
        %swap3A_363 = tpu.vector_load %arg12[%swap3A_359, %swap3A_360, %swap3A_361, %swap3A_362] {strides = array<i32>} : memref<2x32x8x128xf32, #tpu.memory_space<vmem>>, vector<16xf32>,
        tpu.vector_store %arg12[%swap3A_359, %swap3A_360, %swap3A_361, %swap3A_362], %select_n3A_356 {strides = array<i32>} : memref<2x32x8x128xf32, #tpu.memory_space<vmem>>, vector<16xf32>,
        %select_n3A_364 = arith.select %le3A_337, %gather3A_251, %broadcast_in_dim3A_56 : vector<16xi1>, vector<16xf32>
        %swap3A_365 = arith.constant 1 : i32
        %swap3A_366 = arith.constant 3 : i32
        %swap3A_367 = arith.index_cast %swap3A_365 : i32 to index
        %swap3A_368 = arith.index_cast %select_n3A : i32 to index
        %swap3A_369 = arith.index_cast %swap3A_366 : i32 to index
        %swap3A_370 = arith.index_cast %add3A_339 : i32 to index
        %swap3A_371 = tpu.vector_load %arg12[%swap3A_367, %swap3A_368, %swap3A_369, %swap3A_370] {strides = array<i32>} : memref<2x32x8x128xf32, #tpu.memory_space<vmem>>, vector<16xf32>,
        tpu.vector_store %arg12[%swap3A_367, %swap3A_368, %swap3A_369, %swap3A_370], %select_n3A_364 {strides = array<i32>} : memref<2x32x8x128xf32, #tpu.memory_space<vmem>>, vector<16xf32>,
        %select_n3A_372 = arith.select %le3A_337, %gather3A_252, %broadcast_in_dim3A_56 : vector<16xi1>, vector<16xf32>
        %swap3A_373 = arith.constant 1 : i32
        %swap3A_374 = arith.constant 4 : i32
        %swap3A_375 = arith.index_cast %swap3A_373 : i32 to index
        %swap3A_376 = arith.index_cast %select_n3A : i32 to index
        %swap3A_377 = arith.index_cast %swap3A_374 : i32 to index
        %swap3A_378 = arith.index_cast %add3A_339 : i32 to index
        %swap3A_379 = tpu.vector_load %arg12[%swap3A_375, %swap3A_376, %swap3A_377, %swap3A_378] {strides = array<i32>} : memref<2x32x8x128xf32, #tpu.memory_space<vmem>>, vector<16xf32>,
        tpu.vector_store %arg12[%swap3A_375, %swap3A_376, %swap3A_377, %swap3A_378], %select_n3A_372 {strides = array<i32>} : memref<2x32x8x128xf32, #tpu.memory_space<vmem>>, vector<16xf32>,
        %select_n3A_380 = arith.select %le3A_337, %gather3A_253, %broadcast_in_dim3A_56 : vector<16xi1>, vector<16xf32>
        %swap3A_381 = arith.constant 1 : i32
        %swap3A_382 = arith.constant 5 : i32
        %swap3A_383 = arith.index_cast %swap3A_381 : i32 to index
        %swap3A_384 = arith.index_cast %select_n3A : i32 to index
        %swap3A_385 = arith.index_cast %swap3A_382 : i32 to index
        %swap3A_386 = arith.index_cast %add3A_339 : i32 to index
        %swap3A_387 = tpu.vector_load %arg12[%swap3A_383, %swap3A_384, %swap3A_385, %swap3A_386] {strides = array<i32>} : memref<2x32x8x128xf32, #tpu.memory_space<vmem>>, vector<16xf32>,
        tpu.vector_store %arg12[%swap3A_383, %swap3A_384, %swap3A_385, %swap3A_386], %select_n3A_380 {strides = array<i32>} : memref<2x32x8x128xf32, #tpu.memory_space<vmem>>, vector<16xf32>,
        %add3A_388 = arith.addf %gather3A, %get3A_334 : vector<16xf32>
        %select_n3A_389 = arith.select %le3A_337, %add3A_388, %broadcast_in_dim3A_56 : vector<16xi1>, vector<16xf32>
        %swap3A_390 = arith.constant 1 : i32
        %swap3A_391 = arith.constant 6 : i32
        %swap3A_392 = arith.index_cast %swap3A_390 : i32 to index
        %swap3A_393 = arith.index_cast %select_n3A : i32 to index
        %swap3A_394 = arith.index_cast %swap3A_391 : i32 to index
        %swap3A_395 = arith.index_cast %add3A_339 : i32 to index
        %swap3A_396 = tpu.vector_load %arg12[%swap3A_392, %swap3A_393, %swap3A_394, %swap3A_395] {strides = array<i32>} : memref<2x32x8x128xf32, #tpu.memory_space<vmem>>, vector<16xf32>,
        tpu.vector_store %arg12[%swap3A_392, %swap3A_393, %swap3A_394, %swap3A_395], %select_n3A_389 {strides = array<i32>} : memref<2x32x8x128xf32, #tpu.memory_space<vmem>>, vector<16xf32>,
        %add3A_397 = arith.addf %gather3A, %get3A_336 : vector<16xf32>
        %select_n3A_398 = arith.select %le3A_337, %add3A_397, %broadcast_in_dim3A_56 : vector<16xi1>, vector<16xf32>
        %swap3A_399 = arith.constant 1 : i32
        %swap3A_400 = arith.constant 7 : i32
        %swap3A_401 = arith.index_cast %swap3A_399 : i32 to index
        %swap3A_402 = arith.index_cast %select_n3A : i32 to index
        %swap3A_403 = arith.index_cast %swap3A_400 : i32 to index
        %swap3A_404 = arith.index_cast %add3A_339 : i32 to index
        %swap3A_405 = tpu.vector_load %arg12[%swap3A_401, %swap3A_402, %swap3A_403, %swap3A_404] {strides = array<i32>} : memref<2x32x8x128xf32, #tpu.memory_space<vmem>>, vector<16xf32>,
        tpu.vector_store %arg12[%swap3A_401, %swap3A_402, %swap3A_403, %swap3A_404], %select_n3A_398 {strides = array<i32>} : memref<2x32x8x128xf32, #tpu.memory_space<vmem>>, vector<16xf32>,
        %select_n3A_406 = arith.select %le3A_337, %broadcast_in_dim3A_70, %broadcast_in_dim3A_72 : vector<16xi1>, vector<16xi32>
        %mul3A_407 = arith.constant 64 : i32
        %mul3A_408 = arith.muli %scan3A_210, %mul3A_407 : i32
        %add3A_409 = arith.constant 16 : i32
        %add3A_410 = arith.addi %mul3A_408, %add3A_409 : i32
        %swap3A_411 = arith.index_cast %add3A_410 : i32 to index
        %swap3A_412 = tpu.vector_load %arg14[%swap3A_411] {strides = array<i32>} : memref<4096xi32, #tpu.memory_space<vmem>>, vector<16xi32>,
        tpu.vector_store %arg14[%swap3A_411], %select_n3A_406 {strides = array<i32>} : memref<4096xi32, #tpu.memory_space<vmem>>, vector<16xi32>,
        %get3A_413 = arith.constant 32 : index
        %get3A_414 = tpu.vector_load %arg9[%get3A_413] {strides = array<i32>} : memref<64xf32, #tpu.memory_space<vmem>>, vector<16xf32>,
        %get3A_415 = arith.constant 32 : index
        %get3A_416 = tpu.vector_load %arg10[%get3A_415] {strides = array<i32>} : memref<64xf32, #tpu.memory_space<vmem>>, vector<16xf32>,
        %le3A_417 = arith.cmpf ole, %get3A_416, %gather3A_247 : vector<16xf32>
        %add3A_418 = arith.constant 32 : i32
        %add3A_419 = arith.addi %mul3A_246, %add3A_418 : i32
        %select_n3A_420 = arith.select %le3A_417, %gather3A_248, %broadcast_in_dim3A_56 : vector<16xi1>, vector<16xf32>
        %swap3A_421 = arith.constant 1 : i32
        %swap3A_422 = arith.constant 0 : i32
        %swap3A_423 = arith.index_cast %swap3A_421 : i32 to index
        %swap3A_424 = arith.index_cast %select_n3A : i32 to index
        %swap3A_425 = arith.index_cast %swap3A_422 : i32 to index
        %swap3A_426 = arith.index_cast %add3A_419 : i32 to index
        %swap3A_427 = tpu.vector_load %arg12[%swap3A_423, %swap3A_424, %swap3A_425, %swap3A_426] {strides = array<i32>} : memref<2x32x8x128xf32, #tpu.memory_space<vmem>>, vector<16xf32>,
        tpu.vector_store %arg12[%swap3A_423, %swap3A_424, %swap3A_425, %swap3A_426], %select_n3A_420 {strides = array<i32>} : memref<2x32x8x128xf32, #tpu.memory_space<vmem>>, vector<16xf32>,
        %select_n3A_428 = arith.select %le3A_417, %gather3A_249, %broadcast_in_dim3A_56 : vector<16xi1>, vector<16xf32>
        %swap3A_429 = arith.constant 1 : i32
        %swap3A_430 = arith.constant 1 : i32
        %swap3A_431 = arith.index_cast %swap3A_429 : i32 to index
        %swap3A_432 = arith.index_cast %select_n3A : i32 to index
        %swap3A_433 = arith.index_cast %swap3A_430 : i32 to index
        %swap3A_434 = arith.index_cast %add3A_419 : i32 to index
        %swap3A_435 = tpu.vector_load %arg12[%swap3A_431, %swap3A_432, %swap3A_433, %swap3A_434] {strides = array<i32>} : memref<2x32x8x128xf32, #tpu.memory_space<vmem>>, vector<16xf32>,
        tpu.vector_store %arg12[%swap3A_431, %swap3A_432, %swap3A_433, %swap3A_434], %select_n3A_428 {strides = array<i32>} : memref<2x32x8x128xf32, #tpu.memory_space<vmem>>, vector<16xf32>,
        %select_n3A_436 = arith.select %le3A_417, %gather3A_250, %broadcast_in_dim3A_56 : vector<16xi1>, vector<16xf32>
        %swap3A_437 = arith.constant 1 : i32
        %swap3A_438 = arith.constant 2 : i32
        %swap3A_439 = arith.index_cast %swap3A_437 : i32 to index
        %swap3A_440 = arith.index_cast %select_n3A : i32 to index
        %swap3A_441 = arith.index_cast %swap3A_438 : i32 to index
        %swap3A_442 = arith.index_cast %add3A_419 : i32 to index
        %swap3A_443 = tpu.vector_load %arg12[%swap3A_439, %swap3A_440, %swap3A_441, %swap3A_442] {strides = array<i32>} : memref<2x32x8x128xf32, #tpu.memory_space<vmem>>, vector<16xf32>,
        tpu.vector_store %arg12[%swap3A_439, %swap3A_440, %swap3A_441, %swap3A_442], %select_n3A_436 {strides = array<i32>} : memref<2x32x8x128xf32, #tpu.memory_space<vmem>>, vector<16xf32>,
        %select_n3A_444 = arith.select %le3A_417, %gather3A_251, %broadcast_in_dim3A_56 : vector<16xi1>, vector<16xf32>
        %swap3A_445 = arith.constant 1 : i32
        %swap3A_446 = arith.constant 3 : i32
        %swap3A_447 = arith.index_cast %swap3A_445 : i32 to index
        %swap3A_448 = arith.index_cast %select_n3A : i32 to index
        %swap3A_449 = arith.index_cast %swap3A_446 : i32 to index
        %swap3A_450 = arith.index_cast %add3A_419 : i32 to index
        %swap3A_451 = tpu.vector_load %arg12[%swap3A_447, %swap3A_448, %swap3A_449, %swap3A_450] {strides = array<i32>} : memref<2x32x8x128xf32, #tpu.memory_space<vmem>>, vector<16xf32>,
        tpu.vector_store %arg12[%swap3A_447, %swap3A_448, %swap3A_449, %swap3A_450], %select_n3A_444 {strides = array<i32>} : memref<2x32x8x128xf32, #tpu.memory_space<vmem>>, vector<16xf32>,
        %select_n3A_452 = arith.select %le3A_417, %gather3A_252, %broadcast_in_dim3A_56 : vector<16xi1>, vector<16xf32>
        %swap3A_453 = arith.constant 1 : i32
        %swap3A_454 = arith.constant 4 : i32
        %swap3A_455 = arith.index_cast %swap3A_453 : i32 to index
        %swap3A_456 = arith.index_cast %select_n3A : i32 to index
        %swap3A_457 = arith.index_cast %swap3A_454 : i32 to index
        %swap3A_458 = arith.index_cast %add3A_419 : i32 to index
        %swap3A_459 = tpu.vector_load %arg12[%swap3A_455, %swap3A_456, %swap3A_457, %swap3A_458] {strides = array<i32>} : memref<2x32x8x128xf32, #tpu.memory_space<vmem>>, vector<16xf32>,
        tpu.vector_store %arg12[%swap3A_455, %swap3A_456, %swap3A_457, %swap3A_458], %select_n3A_452 {strides = array<i32>} : memref<2x32x8x128xf32, #tpu.memory_space<vmem>>, vector<16xf32>,
        %select_n3A_460 = arith.select %le3A_417, %gather3A_253, %broadcast_in_dim3A_56 : vector<16xi1>, vector<16xf32>
        %swap3A_461 = arith.constant 1 : i32
        %swap3A_462 = arith.constant 5 : i32
        %swap3A_463 = arith.index_cast %swap3A_461 : i32 to index
        %swap3A_464 = arith.index_cast %select_n3A : i32 to index
        %swap3A_465 = arith.index_cast %swap3A_462 : i32 to index
        %swap3A_466 = arith.index_cast %add3A_419 : i32 to index
        %swap3A_467 = tpu.vector_load %arg12[%swap3A_463, %swap3A_464, %swap3A_465, %swap3A_466] {strides = array<i32>} : memref<2x32x8x128xf32, #tpu.memory_space<vmem>>, vector<16xf32>,
        tpu.vector_store %arg12[%swap3A_463, %swap3A_464, %swap3A_465, %swap3A_466], %select_n3A_460 {strides = array<i32>} : memref<2x32x8x128xf32, #tpu.memory_space<vmem>>, vector<16xf32>,
        %add3A_468 = arith.addf %gather3A, %get3A_414 : vector<16xf32>
        %select_n3A_469 = arith.select %le3A_417, %add3A_468, %broadcast_in_dim3A_56 : vector<16xi1>, vector<16xf32>
        %swap3A_470 = arith.constant 1 : i32
        %swap3A_471 = arith.constant 6 : i32
        %swap3A_472 = arith.index_cast %swap3A_470 : i32 to index
        %swap3A_473 = arith.index_cast %select_n3A : i32 to index
        %swap3A_474 = arith.index_cast %swap3A_471 : i32 to index
        %swap3A_475 = arith.index_cast %add3A_419 : i32 to index
        %swap3A_476 = tpu.vector_load %arg12[%swap3A_472, %swap3A_473, %swap3A_474, %swap3A_475] {strides = array<i32>} : memref<2x32x8x128xf32, #tpu.memory_space<vmem>>, vector<16xf32>,
        tpu.vector_store %arg12[%swap3A_472, %swap3A_473, %swap3A_474, %swap3A_475], %select_n3A_469 {strides = array<i32>} : memref<2x32x8x128xf32, #tpu.memory_space<vmem>>, vector<16xf32>,
        %add3A_477 = arith.addf %gather3A, %get3A_416 : vector<16xf32>
        %select_n3A_478 = arith.select %le3A_417, %add3A_477, %broadcast_in_dim3A_56 : vector<16xi1>, vector<16xf32>
        %swap3A_479 = arith.constant 1 : i32
        %swap3A_480 = arith.constant 7 : i32
        %swap3A_481 = arith.index_cast %swap3A_479 : i32 to index
        %swap3A_482 = arith.index_cast %select_n3A : i32 to index
        %swap3A_483 = arith.index_cast %swap3A_480 : i32 to index
        %swap3A_484 = arith.index_cast %add3A_419 : i32 to index
        %swap3A_485 = tpu.vector_load %arg12[%swap3A_481, %swap3A_482, %swap3A_483, %swap3A_484] {strides = array<i32>} : memref<2x32x8x128xf32, #tpu.memory_space<vmem>>, vector<16xf32>,
        tpu.vector_store %arg12[%swap3A_481, %swap3A_482, %swap3A_483, %swap3A_484], %select_n3A_478 {strides = array<i32>} : memref<2x32x8x128xf32, #tpu.memory_space<vmem>>, vector<16xf32>,
        %select_n3A_486 = arith.select %le3A_417, %broadcast_in_dim3A_70, %broadcast_in_dim3A_72 : vector<16xi1>, vector<16xi32>
        %mul3A_487 = arith.constant 64 : i32
        %mul3A_488 = arith.muli %scan3A_210, %mul3A_487 : i32
        %add3A_489 = arith.constant 32 : i32
        %add3A_490 = arith.addi %mul3A_488, %add3A_489 : i32
        %swap3A_491 = arith.index_cast %add3A_490 : i32 to index
        %swap3A_492 = tpu.vector_load %arg14[%swap3A_491] {strides = array<i32>} : memref<4096xi32, #tpu.memory_space<vmem>>, vector<16xi32>,
        tpu.vector_store %arg14[%swap3A_491], %select_n3A_486 {strides = array<i32>} : memref<4096xi32, #tpu.memory_space<vmem>>, vector<16xi32>,
        %get3A_493 = arith.constant 48 : index
        %get3A_494 = tpu.vector_load %arg9[%get3A_493] {strides = array<i32>} : memref<64xf32, #tpu.memory_space<vmem>>, vector<16xf32>,
        %get3A_495 = arith.constant 48 : index
        %get3A_496 = tpu.vector_load %arg10[%get3A_495] {strides = array<i32>} : memref<64xf32, #tpu.memory_space<vmem>>, vector<16xf32>,
        %le3A_497 = arith.cmpf ole, %get3A_496, %gather3A_247 : vector<16xf32>
        %add3A_498 = arith.constant 48 : i32
        %add3A_499 = arith.addi %mul3A_246, %add3A_498 : i32
        %select_n3A_500 = arith.select %le3A_497, %gather3A_248, %broadcast_in_dim3A_56 : vector<16xi1>, vector<16xf32>
        %swap3A_501 = arith.constant 1 : i32
        %swap3A_502 = arith.constant 0 : i32
        %swap3A_503 = arith.index_cast %swap3A_501 : i32 to index
        %swap3A_504 = arith.index_cast %select_n3A : i32 to index
        %swap3A_505 = arith.index_cast %swap3A_502 : i32 to index
        %swap3A_506 = arith.index_cast %add3A_499 : i32 to index
        %swap3A_507 = tpu.vector_load %arg12[%swap3A_503, %swap3A_504, %swap3A_505, %swap3A_506] {strides = array<i32>} : memref<2x32x8x128xf32, #tpu.memory_space<vmem>>, vector<16xf32>,
        tpu.vector_store %arg12[%swap3A_503, %swap3A_504, %swap3A_505, %swap3A_506], %select_n3A_500 {strides = array<i32>} : memref<2x32x8x128xf32, #tpu.memory_space<vmem>>, vector<16xf32>,
        %select_n3A_508 = arith.select %le3A_497, %gather3A_249, %broadcast_in_dim3A_56 : vector<16xi1>, vector<16xf32>
        %swap3A_509 = arith.constant 1 : i32
        %swap3A_510 = arith.constant 1 : i32
        %swap3A_511 = arith.index_cast %swap3A_509 : i32 to index
        %swap3A_512 = arith.index_cast %select_n3A : i32 to index
        %swap3A_513 = arith.index_cast %swap3A_510 : i32 to index
        %swap3A_514 = arith.index_cast %add3A_499 : i32 to index
        %swap3A_515 = tpu.vector_load %arg12[%swap3A_511, %swap3A_512, %swap3A_513, %swap3A_514] {strides = array<i32>} : memref<2x32x8x128xf32, #tpu.memory_space<vmem>>, vector<16xf32>,
        tpu.vector_store %arg12[%swap3A_511, %swap3A_512, %swap3A_513, %swap3A_514], %select_n3A_508 {strides = array<i32>} : memref<2x32x8x128xf32, #tpu.memory_space<vmem>>, vector<16xf32>,
        %select_n3A_516 = arith.select %le3A_497, %gather3A_250, %broadcast_in_dim3A_56 : vector<16xi1>, vector<16xf32>
        %swap3A_517 = arith.constant 1 : i32
        %swap3A_518 = arith.constant 2 : i32
        %swap3A_519 = arith.index_cast %swap3A_517 : i32 to index
        %swap3A_520 = arith.index_cast %select_n3A : i32 to index
        %swap3A_521 = arith.index_cast %swap3A_518 : i32 to index
        %swap3A_522 = arith.index_cast %add3A_499 : i32 to index
        %swap3A_523 = tpu.vector_load %arg12[%swap3A_519, %swap3A_520, %swap3A_521, %swap3A_522] {strides = array<i32>} : memref<2x32x8x128xf32, #tpu.memory_space<vmem>>, vector<16xf32>,
        tpu.vector_store %arg12[%swap3A_519, %swap3A_520, %swap3A_521, %swap3A_522], %select_n3A_516 {strides = array<i32>} : memref<2x32x8x128xf32, #tpu.memory_space<vmem>>, vector<16xf32>,
        %select_n3A_524 = arith.select %le3A_497, %gather3A_251, %broadcast_in_dim3A_56 : vector<16xi1>, vector<16xf32>
        %swap3A_525 = arith.constant 1 : i32
        %swap3A_526 = arith.constant 3 : i32
        %swap3A_527 = arith.index_cast %swap3A_525 : i32 to index
        %swap3A_528 = arith.index_cast %select_n3A : i32 to index
        %swap3A_529 = arith.index_cast %swap3A_526 : i32 to index
        %swap3A_530 = arith.index_cast %add3A_499 : i32 to index
        %swap3A_531 = tpu.vector_load %arg12[%swap3A_527, %swap3A_528, %swap3A_529, %swap3A_530] {strides = array<i32>} : memref<2x32x8x128xf32, #tpu.memory_space<vmem>>, vector<16xf32>,
        tpu.vector_store %arg12[%swap3A_527, %swap3A_528, %swap3A_529, %swap3A_530], %select_n3A_524 {strides = array<i32>} : memref<2x32x8x128xf32, #tpu.memory_space<vmem>>, vector<16xf32>,
        %select_n3A_532 = arith.select %le3A_497, %gather3A_252, %broadcast_in_dim3A_56 : vector<16xi1>, vector<16xf32>
        %swap3A_533 = arith.constant 1 : i32
        %swap3A_534 = arith.constant 4 : i32
        %swap3A_535 = arith.index_cast %swap3A_533 : i32 to index
        %swap3A_536 = arith.index_cast %select_n3A : i32 to index
        %swap3A_537 = arith.index_cast %swap3A_534 : i32 to index
        %swap3A_538 = arith.index_cast %add3A_499 : i32 to index
        %swap3A_539 = tpu.vector_load %arg12[%swap3A_535, %swap3A_536, %swap3A_537, %swap3A_538] {strides = array<i32>} : memref<2x32x8x128xf32, #tpu.memory_space<vmem>>, vector<16xf32>,
        tpu.vector_store %arg12[%swap3A_535, %swap3A_536, %swap3A_537, %swap3A_538], %select_n3A_532 {strides = array<i32>} : memref<2x32x8x128xf32, #tpu.memory_space<vmem>>, vector<16xf32>,
        %select_n3A_540 = arith.select %le3A_497, %gather3A_253, %broadcast_in_dim3A_56 : vector<16xi1>, vector<16xf32>
        %swap3A_541 = arith.constant 1 : i32
        %swap3A_542 = arith.constant 5 : i32
        %swap3A_543 = arith.index_cast %swap3A_541 : i32 to index
        %swap3A_544 = arith.index_cast %select_n3A : i32 to index
        %swap3A_545 = arith.index_cast %swap3A_542 : i32 to index
        %swap3A_546 = arith.index_cast %add3A_499 : i32 to index
        %swap3A_547 = tpu.vector_load %arg12[%swap3A_543, %swap3A_544, %swap3A_545, %swap3A_546] {strides = array<i32>} : memref<2x32x8x128xf32, #tpu.memory_space<vmem>>, vector<16xf32>,
        tpu.vector_store %arg12[%swap3A_543, %swap3A_544, %swap3A_545, %swap3A_546], %select_n3A_540 {strides = array<i32>} : memref<2x32x8x128xf32, #tpu.memory_space<vmem>>, vector<16xf32>,
        %add3A_548 = arith.addf %gather3A, %get3A_494 : vector<16xf32>
        %select_n3A_549 = arith.select %le3A_497, %add3A_548, %broadcast_in_dim3A_56 : vector<16xi1>, vector<16xf32>
        %swap3A_550 = arith.constant 1 : i32
        %swap3A_551 = arith.constant 6 : i32
        %swap3A_552 = arith.index_cast %swap3A_550 : i32 to index
        %swap3A_553 = arith.index_cast %select_n3A : i32 to index
        %swap3A_554 = arith.index_cast %swap3A_551 : i32 to index
        %swap3A_555 = arith.index_cast %add3A_499 : i32 to index
        %swap3A_556 = tpu.vector_load %arg12[%swap3A_552, %swap3A_553, %swap3A_554, %swap3A_555] {strides = array<i32>} : memref<2x32x8x128xf32, #tpu.memory_space<vmem>>, vector<16xf32>,
        tpu.vector_store %arg12[%swap3A_552, %swap3A_553, %swap3A_554, %swap3A_555], %select_n3A_549 {strides = array<i32>} : memref<2x32x8x128xf32, #tpu.memory_space<vmem>>, vector<16xf32>,
        %add3A_557 = arith.addf %gather3A, %get3A_496 : vector<16xf32>
        %select_n3A_558 = arith.select %le3A_497, %add3A_557, %broadcast_in_dim3A_56 : vector<16xi1>, vector<16xf32>
        %swap3A_559 = arith.constant 1 : i32
        %swap3A_560 = arith.constant 7 : i32
        %swap3A_561 = arith.index_cast %swap3A_559 : i32 to index
        %swap3A_562 = arith.index_cast %select_n3A : i32 to index
        %swap3A_563 = arith.index_cast %swap3A_560 : i32 to index
        %swap3A_564 = arith.index_cast %add3A_499 : i32 to index
        %swap3A_565 = tpu.vector_load %arg12[%swap3A_561, %swap3A_562, %swap3A_563, %swap3A_564] {strides = array<i32>} : memref<2x32x8x128xf32, #tpu.memory_space<vmem>>, vector<16xf32>,
        tpu.vector_store %arg12[%swap3A_561, %swap3A_562, %swap3A_563, %swap3A_564], %select_n3A_558 {strides = array<i32>} : memref<2x32x8x128xf32, #tpu.memory_space<vmem>>, vector<16xf32>,
        %select_n3A_566 = arith.select %le3A_497, %broadcast_in_dim3A_70, %broadcast_in_dim3A_72 : vector<16xi1>, vector<16xi32>
        %mul3A_567 = arith.constant 64 : i32
        %mul3A_568 = arith.muli %scan3A_210, %mul3A_567 : i32
        %add3A_569 = arith.constant 48 : i32
        %add3A_570 = arith.addi %mul3A_568, %add3A_569 : i32
        %swap3A_571 = arith.index_cast %add3A_570 : i32 to index
        %swap3A_572 = tpu.vector_load %arg14[%swap3A_571] {strides = array<i32>} : memref<4096xi32, #tpu.memory_space<vmem>>, vector<16xi32>,
        tpu.vector_store %arg14[%swap3A_571], %select_n3A_566 {strides = array<i32>} : memref<4096xi32, #tpu.memory_space<vmem>>, vector<16xi32>,
      }
      %scan3A_180 = arith.constant 64 : i32
      %mul3A_181 = arith.constant 1024 : i32
      %mul3A_182 = arith.muli %add3A, %mul3A_181 : i32
      %mul3A_183 = arith.constant 32 : i32
      %mul3A_184 = arith.muli %add3A_169, %mul3A_183 : i32
      %add3A_185 = arith.addi %mul3A_182, %mul3A_184 : i32
      %mul3A_186 = arith.constant 64 : i32
      %mul3A_187 = arith.muli %add3A_169, %mul3A_186 : i32
      %add3A_188 = arith.addi %mul3A_2, %mul3A_187 : i32
      %mul3A_189 = arith.constant 64 : i32
      %mul3A_190 = arith.muli %add3A_188, %mul3A_189 : i32
      %dma_start3A_191 = arith.constant 1 : i32
      %dma_start3A_192 = arith.constant 0 : i32
      %dma_start3A_193 = arith.constant 0 : i32
      %dma_start3A_194 = arith.constant 0 : i32
      %dma_start3A_195 = tpu.memref_slice %arg12[%dma_start3A_191, %dma_start3A_192, %dma_start3A_193, %dma_start3A_194] : memref<2x32x8x128xf32, #tpu.memory_space<vmem>> -> memref<1x32x8x128xf32, #tpu.memory_space<vmem>>
      %dma_start3A_196 = tpu.memref_squeeze %dma_start3A_195 : memref<1x32x8x128xf32, #tpu.memory_space<vmem>> -> memref<32x8x128xf32, #tpu.memory_space<vmem>>
      %dma_start3A_197 = arith.constant 0 : i32
      %dma_start3A_198 = arith.constant 0 : i32
      %dma_start3A_199 = tpu.memref_slice %arg4[%add3A_185, %dma_start3A_197, %dma_start3A_198] : memref<32768x8x128xf32, #tpu.memory_space<hbm>> -> memref<32x8x128xf32, #tpu.memory_space<hbm>>
      %dma_start3A_200 = arith.constant 0 : i32
      %dma_start3A_201 = arith.constant 0 : i32
      %dma_start3A_202 = tpu.memref_slice %arg4[%add3A_185, %dma_start3A_200, %dma_start3A_201] : memref<32768x8x128xf32, #tpu.memory_space<hbm>> -> memref<32x8x128xf32, #tpu.memory_space<hbm>>
      %dma_start3A_203 = arith.constant 0 : i32
      %dma_start3A_204 = arith.constant 0 : i32
      %dma_start3A_205 = arith.constant 0 : i32
      %dma_start3A_206 = tpu.memref_slice %arg12[%dma_start3A_191, %dma_start3A_203, %dma_start3A_204, %dma_start3A_205] : memref<2x32x8x128xf32, #tpu.memory_space<vmem>> -> memref<1x32x8x128xf32, #tpu.memory_space<vmem>>
      %dma_start3A_207 = tpu.memref_squeeze %dma_start3A_206 : memref<1x32x8x128xf32, #tpu.memory_space<vmem>> -> memref<32x8x128xf32, #tpu.memory_space<vmem>>
      tpu.enqueue_dma source(%dma_start3A_207 : memref<32x8x128xf32, #tpu.memory_space<vmem>>) target(%dma_start3A_202 : memref<32x8x128xf32, #tpu.memory_space<hbm>>) target_semaphore(%arg16 : memref<!tpu.dma_semaphore, #tpu.memory_space<semaphore_mem>>)
      %dma_start3A_208 = tpu.memref_slice %arg5[%mul3A_190] : memref<4194304xi32, #tpu.memory_space<hbm>> -> memref<4096xi32, #tpu.memory_space<hbm>>
      %dma_start3A_209 = tpu.memref_slice %arg5[%mul3A_190] : memref<4194304xi32, #tpu.memory_space<hbm>> -> memref<4096xi32, #tpu.memory_space<hbm>>
      tpu.enqueue_dma source(%arg14 : memref<4096xi32, #tpu.memory_space<vmem>>) target(%dma_start3A_209 : memref<4096xi32, #tpu.memory_space<hbm>>) target_semaphore(%arg18 : memref<!tpu.dma_semaphore, #tpu.memory_space<semaphore_mem>>)
    }
    %scan3A_78 = arith.constant 16 : i32
    %dma_wait3A = arith.constant 0 : i32
    %dma_wait3A_79 = arith.constant 0 : i32
    %dma_wait3A_80 = arith.constant 0 : i32
    %dma_wait3A_81 = arith.constant 0 : i32
    %dma_wait3A_82 = tpu.memref_slice %arg12[%dma_wait3A, %dma_wait3A_79, %dma_wait3A_80, %dma_wait3A_81] : memref<2x32x8x128xf32, #tpu.memory_space<vmem>> -> memref<1x32x8x128xf32, #tpu.memory_space<vmem>>
    %dma_wait3A_83 = tpu.memref_squeeze %dma_wait3A_82 : memref<1x32x8x128xf32, #tpu.memory_space<vmem>> -> memref<32x8x128xf32, #tpu.memory_space<vmem>>
    %dma_wait3A_84 = arith.constant 0 : i32
    %dma_wait3A_85 = arith.constant 0 : i32
    %dma_wait3A_86 = arith.constant 0 : i32
    %dma_wait3A_87 = tpu.memref_slice %arg4[%dma_wait3A_84, %dma_wait3A_85, %dma_wait3A_86] : memref<32768x8x128xf32, #tpu.memory_space<hbm>> -> memref<32x8x128xf32, #tpu.memory_space<hbm>>
    %dma_wait3A_88 = arith.constant 0 : i32
    %dma_wait3A_89 = arith.constant 0 : i32
    %dma_wait3A_90 = arith.constant 0 : i32
    %dma_wait3A_91 = tpu.memref_slice %arg4[%dma_wait3A_88, %dma_wait3A_89, %dma_wait3A_90] : memref<32768x8x128xf32, #tpu.memory_space<hbm>> -> memref<32x8x128xf32, #tpu.memory_space<hbm>>
    %dma_wait3A_92 = arith.constant 0 : i32
    %dma_wait3A_93 = arith.constant 0 : i32
    %dma_wait3A_94 = arith.constant 0 : i32
    %dma_wait3A_95 = tpu.memref_slice %arg12[%dma_wait3A, %dma_wait3A_92, %dma_wait3A_93, %dma_wait3A_94] : memref<2x32x8x128xf32, #tpu.memory_space<vmem>> -> memref<1x32x8x128xf32, #tpu.memory_space<vmem>>
    %dma_wait3A_96 = tpu.memref_squeeze %dma_wait3A_95 : memref<1x32x8x128xf32, #tpu.memory_space<vmem>> -> memref<32x8x128xf32, #tpu.memory_space<vmem>>
    tpu.wait_dma2 semaphore(%arg15 : memref<!tpu.dma_semaphore, #tpu.memory_space<semaphore_mem>>) src(%dma_wait3A_96 : memref<32x8x128xf32, #tpu.memory_space<vmem>>) dst(%dma_wait3A_91 : memref<32x8x128xf32, #tpu.memory_space<hbm>>)
    %dma_wait3A_97 = arith.constant 0 : i32
    %dma_wait3A_98 = tpu.memref_slice %arg5[%dma_wait3A_97] : memref<4194304xi32, #tpu.memory_space<hbm>> -> memref<4096xi32, #tpu.memory_space<hbm>>
    %dma_wait3A_99 = arith.constant 0 : i32
    %dma_wait3A_100 = tpu.memref_slice %arg5[%dma_wait3A_99] : memref<4194304xi32, #tpu.memory_space<hbm>> -> memref<4096xi32, #tpu.memory_space<hbm>>
    tpu.wait_dma2 semaphore(%arg17 : memref<!tpu.dma_semaphore, #tpu.memory_space<semaphore_mem>>) src(%arg13 : memref<4096xi32, #tpu.memory_space<vmem>>) dst(%dma_wait3A_100 : memref<4096xi32, #tpu.memory_space<hbm>>)
    %dma_wait3A_101 = arith.constant 1 : i32
    %dma_wait3A_102 = arith.constant 0 : i32
    %dma_wait3A_103 = arith.constant 0 : i32
    %dma_wait3A_104 = arith.constant 0 : i32
    %dma_wait3A_105 = tpu.memref_slice %arg12[%dma_wait3A_101, %dma_wait3A_102, %dma_wait3A_103, %dma_wait3A_104] : memref<2x32x8x128xf32, #tpu.memory_space<vmem>> -> memref<1x32x8x128xf32, #tpu.memory_space<vmem>>
    %dma_wait3A_106 = tpu.memref_squeeze %dma_wait3A_105 : memref<1x32x8x128xf32, #tpu.memory_space<vmem>> -> memref<32x8x128xf32, #tpu.memory_space<vmem>>
    %dma_wait3A_107 = arith.constant 0 : i32
    %dma_wait3A_108 = arith.constant 0 : i32
    %dma_wait3A_109 = arith.constant 0 : i32
    %dma_wait3A_110 = tpu.memref_slice %arg4[%dma_wait3A_107, %dma_wait3A_108, %dma_wait3A_109] : memref<32768x8x128xf32, #tpu.memory_space<hbm>> -> memref<32x8x128xf32, #tpu.memory_space<hbm>>
    %dma_wait3A_111 = arith.constant 0 : i32
    %dma_wait3A_112 = arith.constant 0 : i32
    %dma_wait3A_113 = arith.constant 0 : i32
    %dma_wait3A_114 = tpu.memref_slice %arg4[%dma_wait3A_111, %dma_wait3A_112, %dma_wait3A_113] : memref<32768x8x128xf32, #tpu.memory_space<hbm>> -> memref<32x8x128xf32, #tpu.memory_space<hbm>>
    %dma_wait3A_115 = arith.constant 0 : i32
    %dma_wait3A_116 = arith.constant 0 : i32
    %dma_wait3A_117 = arith.constant 0 : i32
    %dma_wait3A_118 = tpu.memref_slice %arg12[%dma_wait3A_101, %dma_wait3A_115, %dma_wait3A_116, %dma_wait3A_117] : memref<2x32x8x128xf32, #tpu.memory_space<vmem>> -> memref<1x32x8x128xf32, #tpu.memory_space<vmem>>
    %dma_wait3A_119 = tpu.memref_squeeze %dma_wait3A_118 : memref<1x32x8x128xf32, #tpu.memory_space<vmem>> -> memref<32x8x128xf32, #tpu.memory_space<vmem>>
    tpu.wait_dma2 semaphore(%arg16 : memref<!tpu.dma_semaphore, #tpu.memory_space<semaphore_mem>>) src(%dma_wait3A_119 : memref<32x8x128xf32, #tpu.memory_space<vmem>>) dst(%dma_wait3A_114 : memref<32x8x128xf32, #tpu.memory_space<hbm>>)
    %dma_wait3A_120 = arith.constant 0 : i32
    %dma_wait3A_121 = tpu.memref_slice %arg5[%dma_wait3A_120] : memref<4194304xi32, #tpu.memory_space<hbm>> -> memref<4096xi32, #tpu.memory_space<hbm>>
    %dma_wait3A_122 = arith.constant 0 : i32
    %dma_wait3A_123 = tpu.memref_slice %arg5[%dma_wait3A_122] : memref<4194304xi32, #tpu.memory_space<hbm>> -> memref<4096xi32, #tpu.memory_space<hbm>>
    tpu.wait_dma2 semaphore(%arg18 : memref<!tpu.dma_semaphore, #tpu.memory_space<semaphore_mem>>) src(%arg14 : memref<4096xi32, #tpu.memory_space<vmem>>) dst(%dma_wait3A_123 : memref<4096xi32, #tpu.memory_space<hbm>>)
    return
  }
}

</mosaic_0001>

<sc_bundles>
// kernel: _run.3.cloned.1.call-start
scs
__scs_entry_jumppad:
0x0: {  	(pc) =	sbr.rel $0x88, $3  }
0x1: {  	(tag) =	ssettag $0x0;
	lr =	simm.s32 $0x1  }
0x2: {  	[smem:$0x3F9E] =	sst lr;
	_ =	strace $0xD0000000  }
0x3: {  	_ = 	snop  }
0x4: {  	_ = 	snop  }
0x5: {  	_ = 	snop  }
0x6: {  	_ = 	snop  }
0x7: {  	_ = 	snop  }
__scs_overlays_trampoline_lowered:
0x8: {  	[smem:$0x3FAD] =	sst s0  }
0x9: {  	[smem:$0x3FAE] =	sst s1  }
0xa: {  	[smem:$0x3FAF] =	sst s2  }
0xb: {  	[smem:$0x3FB0] =	sst s3  }
0xc: {  	[smem:$0x3FB1] =	sst s4  }
0xd: {  	[smem:$0x3FB2] =	sst s5  }
0xe: {  	[smem:$0x3FB3] =	sst s6  }
0xf: {  	[smem:$0x3FB4] =	sst s7  }
0x10: {  	[smem:$0x3FB5] =	sst s8  }
0x11: {  	[smem:$0x3FB6] =	sst s9;
	s0 =	simm.s32 @!p0 $0x0  }
0x12: {  	s1 =	sld [smem:$0x3F9C];
	s0 =	simm.s32 @p0 $0x1  }
0x13: {  	[smem:$0x3FB7] =	sst s0;
	s0 =	simm.s32 @!p1 $0x0  }
0x14: {  	s2 =	sld [smem:$0x3F9B];
	s0 =	simm.s32 @p1 $0x1  }
0x15: {  	[smem:$0x3FB8] =	sst s0;
	s0 =	simm.s32 @!p2 $0x0  }
0x16: {  	s3 =	sld [smem:$0x3FDB];
	s0 =	simm.s32 @p2 $0x1  }
0x17: {  	s4 =	simm.s32 $0x1BF5;
	[smem:$0x3FBA] =	sst s0  }
0x18: {  	s0 =	sld [smem:$0x3F9D];
	_ =	swait.ge [sflag:s4], $0x0  }
0x19: {  	s7 =	sld [smem:$0x3F9E]  }
0x1a: {  	s8 =	sadd.s32 $0xFFFFE003, lr  }
0x1b: {  	s9 =	sadd.s32 $0xFFFFFEF7, lr;
	s5 =	simm.s32 $0xFFFFFFFF;
	p2 =	slt.u32 s8, $0xFFFFF086  }
0x1c: {  	p1 =	slt.u32 s9, $0xF7A;
	s5 =	simm.s32 @!p2 $0x0  }
0x1d: {  	s5 =	simm.s32 @p1 $0x1;
	p0 =	seq.s32 s7, s2  }
0x1e: {  	s7 =	smul.u32 @!p0 $0xF7A, s2;
	p2 =	seq.s32 @!p0 s5, $0x0  }
0x1f: {  	s9 =	smul.u32 $0xF7A, s1;
	s8 =	simm.s32 @!p0 $0x1BF5;
	p2 =	por !p2, p0  }
0x20: {  	[sflag:s8] =	ssyncset.s32 @!p0 $0xFFFFF086;
	s6 =	sadd.s32 @!p0 s3, s7;
	s7 =	simm.s32 @!p0 $0x108  }
0x21: {  	s3 =	sadd.s32 s3, s9;
	s6 =	sadd.s32 @!p0 $0x88, s6;
	s7 =	simm.s32 @p2 $0x1082  }
0x22: {  	[simem:s7], [sflag:s8] =	dma.local @!p0 [hbm:s6], $0xF7A  }
0x23: {  	s9 =	sor.u32 $0xD0000000, s2;
	s6 =	simm.s32 $0x108;
	_ =	swait.ge @!p0 [sflag:s8], $0x0  }
0x24: {  	s3 =	sadd.s32 $0x88, s3;
	s6 =	simm.s32 @!p1 $0x1082;
	[sflag:s4] =	ssyncset.s32 $0xFFFFF086  }
0x25: {  	[simem:s6], [sflag:s4] =	dma.local [hbm:s3], $0xF7A  }
0x26: {  	[smem:$0x3F9E] =	sst s1;
	(tag) =	ssettag s2;
	_ =	strace s9  }
0x27: {  	s1 =	sld [smem:$0x3FAE]  }
0x28: {  	s2 =	sld [smem:$0x3FAF]  }
0x29: {  	s4 =	sld [smem:$0x3FB1]  }
0x2a: {  	p0 =	seq.s32 s5, $0x0;
	s5 =	sld [smem:$0x3FB2]  }
0x2b: {  	s6 =	sld [smem:$0x3FB3]  }
0x2c: {  	s7 =	sld [smem:$0x3FB4]  }
0x2d: {  	s3 =	simm.s32 $0x108;
	s8 =	sld [smem:$0x3FB5]  }
0x2e: {  	s3 =	simm.s32 @!p0 $0x1082;
	s9 =	sld [smem:$0x3FB6]  }
0x2f: {  	lr =	sadd.s32 s0, s3;
	s0 =	sld [smem:$0x3FAD]  }
0x30: {  	s3 =	sld [smem:$0x3FB0]  }
0x31: {  	[smem:$0x3FB9] =	sst s10  }
0x32: {  	s10 =	sld [smem:$0x3FB7];
	_ =	sdelay $0x3  }
0x33: {  	p0 =	seq.s32 s10, $0x1;
	s10 =	sld [smem:$0x3FB9];
	_ =	sdelay $0x3  }
0x34: {  	[smem:$0x3FB9] =	sst s10  }
0x35: {  	s10 =	sld [smem:$0x3FB8];
	_ =	sdelay $0x3  }
0x36: {  	p1 =	seq.s32 s10, $0x1;
	s10 =	sld [smem:$0x3FB9];
	_ =	sdelay $0x3  }
0x37: {  	[smem:$0x3FB9] =	sst s10  }
0x38: {  	s10 =	sld [smem:$0x3FBA]  }
0x39: {  	_ = 	snop;
	(pc) =	sbr.ind lr, $3  }
0x3a: {  	_ = 	snop  }
0x3b: {  	_ = 	snop  }
0x3c: {  	p2 =	seq.s32 s10, $0x1;
	s10 =	sld [smem:$0x3FB9]  }
0x3d: {  	_ =	shalt  }
0x3e: {  	_ =	shalt  }
0x3f: {  	_ =	shalt  }
0x40: {  	_ =	shalt  }
0x41: {  	_ =	shalt  }
0x42: {  	_ =	shalt  }
0x43: {  	_ =	shalt  }
0x44: {  	_ =	shalt  }
0x45: {  	_ =	shalt  }
0x46: {  	_ =	shalt  }
0x47: {  	_ =	shalt  }
0x48: {  	_ =	shalt  }
0x49: {  	_ =	shalt  }
0x4a: {  	_ =	shalt  }
0x4b: {  	_ =	shalt  }
0x4c: {  	_ =	shalt  }
0x4d: {  	_ =	shalt  }
0x4e: {  	_ =	shalt  }
0x4f: {  	_ =	shalt  }
0x50: {  	_ =	shalt  }
0x51: {  	_ =	shalt  }
0x52: {  	_ =	shalt  }
0x53: {  	_ =	shalt  }
0x54: {  	_ =	shalt  }
0x55: {  	_ =	shalt  }
0x56: {  	_ =	shalt  }
0x57: {  	_ =	shalt  }
0x58: {  	_ =	shalt  }
0x59: {  	_ =	shalt  }
0x5a: {  	_ =	shalt  }
0x5b: {  	_ =	shalt  }
0x5c: {  	_ =	shalt  }
0x5d: {  	_ =	shalt  }
0x5e: {  	_ =	shalt  }
0x5f: {  	_ =	shalt  }
0x60: {  	_ =	shalt  }
0x61: {  	_ =	shalt  }
0x62: {  	_ =	shalt  }
0x63: {  	_ =	shalt  }
0x64: {  	_ =	shalt  }
0x65: {  	_ =	shalt  }
0x66: {  	_ =	shalt  }
0x67: {  	_ =	shalt  }
0x68: {  	_ =	shalt  }
0x69: {  	_ =	shalt  }
0x6a: {  	_ =	shalt  }
0x6b: {  	_ =	shalt  }
0x6c: {  	_ =	shalt  }
0x6d: {  	_ =	shalt  }
0x6e: {  	_ =	shalt  }
0x6f: {  	_ =	shalt  }
0x70: {  	_ =	shalt  }
0x71: {  	_ =	shalt  }
0x72: {  	_ =	shalt  }
0x73: {  	_ =	shalt  }
0x74: {  	_ =	shalt  }
0x75: {  	_ =	shalt  }
0x76: {  	_ =	shalt  }
0x77: {  	_ =	shalt  }
0x78: {  	_ =	shalt  }
0x79: {  	_ =	shalt  }
0x7a: {  	_ =	shalt  }
0x7b: {  	_ =	shalt  }
0x7c: {  	_ =	shalt  }
0x7d: {  	_ =	shalt  }
0x7e: {  	_ =	shalt  }
0x7f: {  	_ =	shalt  }
0x80: {  	_ =	shalt  }
0x81: {  	_ =	shalt  }
0x82: {  	_ =	shalt  }
0x83: {  	_ =	shalt  }
0x84: {  	_ =	shalt  }
0x85: {  	_ =	shalt  }
0x86: {  	_ =	shalt  }
0x87: {  	_ =	shalt  }
.Lfunc_end0:
.L_simem_size_0:
called_computation_lowered:
.L_overlay_start_0:
0x88: {  	s2 =	sld [smem:$0x3FD9]  }
0x89: {  	s3 =	sld [smem:$0x3FFE];
	_ =	sdelay $0x1  }
0x8a: {  	s1 =	srdreg.scid  }
0x8b: {  	s0 =	sand.u32 $0x1, s1  }
0x8c: {  	s14 =	sshll.u32 s0, $0xA;
	s2 =	sadd.s32 s3, s2  }
0x8d: {  	s2 =	sadd.s32 s2, s14  }
0x8e: {  	[smem:$0x3FC5] =	sst s2  }
0x8f: {  	_ = 	snop  }
0x90: {  	s2 =	sld [smem:$0x3FD0];
	_ =	sdelay $0x2  }
0x91: {  	s4 =	simm.s32 $0xA;
	s5 =	simm.s32 $0x10;
	s15 =	sld [smem:$0x3FC7]  }
0x92: {  	[smem:s5], [sflag:s4] =	dma.local [hbm:s2], $0x1  }
0x93: {  	_ =	swait.eq [sflag:s4], $0x1  }
0x94: {  	[sflag:s4] =	ssyncset.done $0x0  }
0x95: {  	s16 =	sld [smem:$0x10];
	[sflag:s4] =	ssyncadd.s32 $0xFFFFFFFF  }
0x96: {  	s17 =	sld [smem:$0x12];
	(tm) =	ssettm $0x1  }
0x97: {  	s18 =	sld [smem:$0x3FFB];
	_ =	sdelay $0x3  }
0x98: {  	_ =	strace s18  }
0x99: {  	s5 =	sld [smem:$0x3FFC];
	_ =	sdelay $0x3  }
0x9a: {  	_ =	strace s5  }
0x9b: {  	s5 =	sld [smem:$0x3FFD];
	_ =	sdelay $0x3  }
0x9c: {  	_ =	strace s5  }
0x9d: {  	_ =	strace $0x8FFFFFFF  }
0x9e: {  	s19 =	sld [smem:$0x3FDB];
	_ =	sdelay $0x1  }
0x9f: {  	s6 =	simm.s32 $_scs_section_size  }
0xa0: {  	s7 =	simm.s32 $_size__tile_overlayer_lowered;
	s8 =	simm.s32 $_tile_overlayer_lowered  }
0xa1: {  	s22 =	simm.s32 $0x1BFF;
	s21 =	sshll.u32 s8, $0x1;
	s5 =	sadd.s32 s6, s19  }
0xa2: {  	s9 =	simm.s32 $0x0;
	s20 =	sshll.u32 s7, $0x1;
	s7 =	sadd.s32 s21, s5  }
0xa3: {  	[timem:s9], [sflag:s22] =	dma.local [hbm:s7], s20  }
0xa4: {  	_ =	swait.ge [sflag:s22], s20  }
0xa5: {  	s6 =	ssub.s32 $0x0, s20;
	[sflag:s22] =	ssyncset.done $0x0  }
0xa6: {  	[sflag:s22] =	ssyncadd.s32 s6;
	_ =	sdelay $0x1  }
0xa7: {  	s23 =	simm.s32 $0x1B8B  }
0xa8: {  	_ =	swait.ge [sflag:s23], $0x1  }
0xa9: {  	[sflag:s23] =	ssyncset.done $0x0  }
0xaa: {  	s25 =	simm.s32 $0x1B8E;
	s24 =	sld [smem:$0x3FFE];
	[sflag:s23] =	ssyncadd.s32 $0xFFFFFFFF  }
0xab: {  	s26 =	simm.s32 $execute0_lowered;
	[smem:$0x3FD2] =	sst s25  }
0xac: {  	s7 =	sshll.u32 s26, $0x1;
	_ =	strace $0x80000046;
	[dreg:$0x1] =	wrdreg $0xFFFFFFFF  }
0xad: {  	s28 =	simm.s32 $_size_execute0_lowered;
	s5 =	sadd.s32 s5, s7;
	[dreg:$0x0] =	wrdreg $0x0  }
0xae: {  	s7 =	sshll.u32 s28, $0x1;
	[dreg:$0x2] =	wrdreg s5  }
0xaf: {  	[dreg:$0x3] =	wrdreg s7  }
0xb0: {  	[dreg:$0x4] =	wrdreg $0xC0  }
0xb1: {  	_ =	task [dreg:s9], $0x5FFFF  }
0xb2: {  	[dreg:$0x1] =	wrdreg $0xFFFFFFFF  }
0xb3: {  	[dreg:$0x0] =	wrdreg $0x60  }
0xb4: {  	[dreg:$0x2] =	wrdreg s15  }
0xb5: {  	[dreg:$0x3] =	wrdreg s17  }
0xb6: {  	[dreg:$0x4] =	wrdreg s16  }
0xb7: {  	[dreg:$0x5] =	wrdreg s24  }
0xb8: {  	[dreg:$0x6] =	wrdreg $0x9  }
0xb9: {  	_ =	task.clear_ibuf [dreg:s9], $0x7FFFF;
	_ =	strace $0x90000046  }
0xba: {  	s29 =	simm.s32 $0x9;
	_ =	strace $0x80000048  }
0xbb: {  	_ =	swait.ge [sflag:s29], $0x1  }
0xbc: {  	[sflag:s29] =	ssyncadd.s32 $0xFFFFFFFF  }
0xbd: {  	_ =	strace $0x90000048  }
0xbe: {  	_ =	sfence  }
0xbf: {  	s30 =	sld [smem:$0x0];
	_ =	sdelay $0x2  }
0xc0: {  	s31 =	sshll.u32 s1, $0xD;
	s1 =	sshrl.u32 s1, $0x2  }
0xc1: {  	s3 =	sand.u32 $0x4000, s31;
	s1 =	sadd.s32 s1, s30  }
0xc2: {  	s0 =	sor.u32 s3, s0;
	s1 =	sshll.u32 s1, $0x11  }
0xc3: {  	s0 =	sor.u32 s1, s0  }
0xc4: {  	s0 =	sadd.s32 $0x8F2B, s0  }
0xc5: {  	[sflag:s0] =	ssyncadd.remote.s32 $0x1  }
0xc6: {  	_ =	sfence.sel $0xFFFF  }
0xc7: {  	[dreg:$0x0] =	wrdreg $0xFFFFFFFF;
	(pc) =	sbr.abs _section_cstart, $3  }
0xc8: {  	[dreg:$0x1] =	wrdreg $0xFFFFFFFF  }
0xc9: {  	_ =	task.clear_ibuf [dreg:s9], $0x2FFFF;
	_ =	strace $0x9FFFFFFF  }
0xca: {  	(tm) =	ssettm $0x7FFFFFFF  }
0xcb: {  	_ =	shalt  }
tec
execute0_lowered:
.L_overlay_start_1:
0x0: {  	(tag) =	ssettag $0x1  }
0x1: {  	vm14 =	vcmask $0x300  }
0x2: {  	v0 =	vimm.f32 $1.500000000e+01;
	vm13 =	vcmask $0x704;
	v1 =	vimm.f32 $1.600000000e+01  }
0x3: {  	vm12 =	vcmask $0xB08;
	vm11 =	vcmask $0xF0C;
	vm10 =	vcmask $0x1310  }
0x4: {  	vm9 =	vcmask $0x1714;
	vm8 =	vcmask $0x1B18;
	vm7 =	vcmask $0x1F1C  }
0x5: {  	vm6 =	vcmask $0x2320;
	vm5 =	vcmask $0x2724;
	vm4 =	vcmask $0x2B28  }
0x6: {  	vm3 =	vcmask $0x2F2C;
	vm2 =	vcmask $0x3330;
	vm1 =	vcmask $0x3734  }
0x7: {  	vm0 =	vcmask $0x3B38;
	v2 =	vimm.f32 $3.100000000e+01;
	v3 =	vimm.f32 $3.200000000e+01  }
0x8: {  	v4 =	vimm.f32 $4.700000000e+01;
	v5 =	vimm.f32 $4.800000000e+01;
	v6 =	vimm.f32 $6.300000000e+01  }
0x9: {  	v7 =	vimm.f32 $6.400000000e+01;
	v8 =	vimm.f32 $-1.000000010e-10;
	v9 =	vimm.s32 $0x0  }
0xa: {  	v0 =	vsel vm14, $0x0, v0;
	v1 =	vsel vm14, $0x3F800000, v1;
	v2 =	vsel vm14, $0x41800000, v2  }
0xb: {  	v3 =	vsel vm14, $0x41880000, v3;
	v4 =	vsel vm14, $0x42000000, v4;
	v5 =	vsel vm14, $0x42040000, v5  }
0xc: {  	v6 =	vsel vm14, $0x42400000, v6;
	v7 =	vsel vm14, $0x42440000, v7;
	v0 =	vsel vm13, $0x3F800000, v0  }
0xd: {  	v1 =	vsel vm13, $0x40000000, v1;
	v2 =	vsel vm13, $0x41880000, v2;
	v3 =	vsel vm13, $0x41900000, v3  }
0xe: {  	v4 =	vsel vm13, $0x42040000, v4;
	v5 =	vsel vm13, $0x42080000, v5;
	v6 =	vsel vm13, $0x42440000, v6  }
0xf: {  	v7 =	vsel vm13, $0x42480000, v7;
	v0 =	vsel vm12, $0x40000000, v0;
	v1 =	vsel vm12, $0x40400000, v1  }
0x10: {  	v2 =	vsel vm12, $0x41900000, v2;
	v3 =	vsel vm12, $0x41980000, v3;
	v4 =	vsel vm12, $0x42080000, v4  }
0x11: {  	v5 =	vsel vm12, $0x420C0000, v5;
	v6 =	vsel vm12, $0x42480000, v6;
	v7 =	vsel vm12, $0x424C0000, v7  }
0x12: {  	v0 =	vsel vm11, $0x40400000, v0;
	v1 =	vsel vm11, $0x40800000, v1;
	v2 =	vsel vm11, $0x41980000, v2  }
0x13: {  	v3 =	vsel vm11, $0x41A00000, v3;
	v4 =	vsel vm11, $0x420C0000, v4;
	v5 =	vsel vm11, $0x42100000, v5  }
0x14: {  	v6 =	vsel vm11, $0x424C0000, v6;
	v7 =	vsel vm11, $0x42500000, v7;
	v0 =	vsel vm10, $0x40800000, v0  }
0x15: {  	v1 =	vsel vm10, $0x40A00000, v1;
	v2 =	vsel vm10, $0x41A00000, v2;
	v3 =	vsel vm10, $0x41A80000, v3  }
0x16: {  	v4 =	vsel vm10, $0x42100000, v4;
	v5 =	vsel vm10, $0x42140000, v5;
	v6 =	vsel vm10, $0x42500000, v6  }
0x17: {  	v7 =	vsel vm10, $0x42540000, v7;
	v0 =	vsel vm9, $0x40A00000, v0;
	v1 =	vsel vm9, $0x40C00000, v1  }
0x18: {  	v2 =	vsel vm9, $0x41A80000, v2;
	v3 =	vsel vm9, $0x41B00000, v3;
	v4 =	vsel vm9, $0x42140000, v4  }
0x19: {  	v5 =	vsel vm9, $0x42180000, v5;
	v6 =	vsel vm9, $0x42540000, v6;
	v7 =	vsel vm9, $0x42580000, v7  }
0x1a: {  	v0 =	vsel vm8, $0x40C00000, v0;
	v1 =	vsel vm8, $0x40E00000, v1;
	v2 =	vsel vm8, $0x41B00000, v2  }
0x1b: {  	v3 =	vsel vm8, $0x41B80000, v3;
	v4 =	vsel vm8, $0x42180000, v4;
	v5 =	vsel vm8, $0x421C0000, v5  }
0x1c: {  	v6 =	vsel vm8, $0x42580000, v6;
	v7 =	vsel vm8, $0x425C0000, v7;
	v0 =	vsel vm7, $0x40E00000, v0  }
0x1d: {  	v1 =	vsel vm7, $0x41000000, v1;
	v2 =	vsel vm7, $0x41B80000, v2;
	v3 =	vsel vm7, $0x41C00000, v3  }
0x1e: {  	v4 =	vsel vm7, $0x421C0000, v4;
	v5 =	vsel vm7, $0x42200000, v5;
	v6 =	vsel vm7, $0x425C0000, v6  }
0x1f: {  	v7 =	vsel vm7, $0x42600000, v7;
	v0 =	vsel vm6, $0x41000000, v0;
	v1 =	vsel vm6, $0x41100000, v1  }
0x20: {  	v2 =	vsel vm6, $0x41C00000, v2;
	v3 =	vsel vm6, $0x41C80000, v3;
	v4 =	vsel vm6, $0x42200000, v4  }
0x21: {  	v5 =	vsel vm6, $0x42240000, v5;
	v6 =	vsel vm6, $0x42600000, v6;
	v7 =	vsel vm6, $0x42640000, v7  }
0x22: {  	v0 =	vsel vm5, $0x41100000, v0;
	v1 =	vsel vm5, $0x41200000, v1;
	v2 =	vsel vm5, $0x41C80000, v2  }
0x23: {  	v3 =	vsel vm5, $0x41D00000, v3;
	v4 =	vsel vm5, $0x42240000, v4;
	v5 =	vsel vm5, $0x42280000, v5  }
0x24: {  	v6 =	vsel vm5, $0x42640000, v6;
	v7 =	vsel vm5, $0x42680000, v7;
	v0 =	vsel vm4, $0x41200000, v0  }
0x25: {  	v1 =	vsel vm4, $0x41300000, v1;
	v2 =	vsel vm4, $0x41D00000, v2;
	v3 =	vsel vm4, $0x41D80000, v3  }
0x26: {  	v4 =	vsel vm4, $0x42280000, v4;
	v5 =	vsel vm4, $0x422C0000, v5;
	v6 =	vsel vm4, $0x42680000, v6  }
0x27: {  	s0 =	rddreg [dreg:$0x1];
	v7 =	vsel vm4, $0x426C0000, v7;
	v0 =	vsel vm3, $0x41300000, v0;
	v1 =	vsel vm3, $0x41400000, v1  }
0x28: {  	s1 =	rddreg [dreg:$0x2];
	s2 =	srdreg.scid;
	v2 =	vsel vm3, $0x41D80000, v2;
	v3 =	vsel vm3, $0x41E00000, v3;
	v4 =	vsel vm3, $0x422C0000, v4  }
0x29: {  	s3 =	stileid.u32;
	s4 =	rddreg [dreg:$0x3];
	s10 =	simm.s32 $0x4000;
	v5 =	vsel vm3, $0x42300000, v5;
	v6 =	vsel vm3, $0x426C0000, v6;
	v7 =	vsel vm3, $0x42700000, v7  }
0x2a: {  	s11 =	simm.s32 $0x4800;
	s13 =	simm.s32 $0x15180;
	s14 =	simm.s32 $0xD180;
	v0 =	vsel vm2, $0x41400000, v0;
	v1 =	vsel vm2, $0x41500000, v1;
	v2 =	vsel vm2, $0x41E00000, v2  }
0x2b: {  	s2 =	sand.u32 $0x1, s2;
	s5 =	sshll.u32 s3, $0x1;
	s3 =	simm.s32 $0x0;
	v3 =	vsel vm2, $0x41E80000, v3;
	v4 =	vsel vm2, $0x42300000, v4;
	v5 =	vsel vm2, $0x42340000, v5  }
0x2c: {  	s15 =	simm.s32 $0x16180;
	s5 =	sor.u32 s2, s5;
	[smem:$0x7FF] =	sst s3;
	v6 =	vsel vm2, $0x42700000, v6;
	v7 =	vsel vm2, $0x42740000, v7;
	v0 =	vsel vm1, $0x41500000, v0  }
0x2d: {  	s2 =	ssub.s32 $0x2, s2;
	s6 =	sshll.u32 s5, $0xE;
	_ =	strace $0x80000047;
	v1 =	vsel vm1, $0x41600000, v1;
	v2 =	vsel vm1, $0x41E80000, v2;
	v3 =	vsel vm1, $0x41F00000, v3  }
0x2e: {  	s30 =	sshrl.u32 s2, $0x1;
	s7 =	sshll.u32 s5, $0xB;
	s5 =	sshll.u32 s5, $0x11;
	v4 =	vsel vm1, $0x42340000, v4;
	v5 =	vsel vm1, $0x42380000, v5;
	v6 =	vsel vm1, $0x42740000, v6  }
0x2f: {  	s4 =	sadd.s32 s6, s4;
	s2 =	ssub.s32 s2, s30;
	s0 =	sadd.s32 s0, s7;
	v7 =	vsel vm1, $0x42780000, v7;
	v0 =	vsel vm0, $0x41600000, v0;
	v1 =	vsel vm0, $0x41700000, v1  }
0x30: {  	s5 =	sadd.s32 s1, s5;
	[dreg:$0x5] =	wrdreg s0;
	s31 =	smax.u32 s2, $0x1;
	v2 =	vsel vm0, $0x41F00000, v2;
	v3 =	vsel vm0, $0x41F80000, v3;
	v4 =	vsel vm0, $0x42380000, v4  }
0x31: {  	s6 =	sadd.s32 $0x800, s4;
	s2 =	simm.s32 $0x0;
	[dreg:$0x6] =	wrdreg s31;
	v5 =	vsel vm0, $0x423C0000, v5;
	v6 =	vsel vm0, $0x42780000, v6;
	v7 =	vsel vm0, $0x427C0000, v7  }
.LBB2_1:
0x32: {  	[dreg:$0x7] =	wrdreg s2  }
0x33: {  	s0 =	rddreg [dreg:$0x0];
	s1 =	simm.s32 $0x5100;
	s24 =	simm.s32 $0x5  }
0x34: {  	[tilespmem:s1], [sflag:$0x5] =	stream.linear.gather [hbm4b:s0+s3], $0x80, $0x38;
	[tilespmem:$0x17180] =	vst v63  }
0x35: {  	_ =	swait.ge [sflag:s24], $0x80  }
0x36: {  	[sflag:s24] =	ssyncset.done $0x0  }
0x37: {  	s25 =	rddreg [dreg:$0x5];
	[sflag:s24] =	ssyncadd.s32 $0xFFFFFF80  }
0x38: {  	[tilespmem:s3], [sflag:$0x5] =	stream.linear.gather [hbm4b:s25+s3], $0x4000, $0x38;
	[tilespmem:$0x17180] =	vst v63  }
0x39: {  	_ =	swait.ge [sflag:s24], $0x4000  }
0x3a: {  	[sflag:s24] =	ssyncset.done $0x0  }
0x3b: {  	[sflag:s24] =	ssyncadd.s32 $0xFFFFC000  }
0x3c: {  	v10 =	vld [tilespmem:$0x5100];
	_ =	sdelay $0x4  }
0x3d: {  	v11 =	vmul.f32 v0, v10  }
0x3e: {  	v12 =	vmul.f32 v1, v10  }
0x3f: {  	[tilespmem:$0x5000] =	vst v11;
	v11 =	vmul.f32 v2, v10  }
0x40: {  	v43 =	vmul.f32 v3, v10;
	[tilespmem:$0x5080] =	vst v12  }
0x41: {  	[tilespmem:$0x5010] =	vst v11;
	v11 =	vmul.f32 v4, v10  }
0x42: {  	v44 =	vmul.f32 v5, v10;
	[tilespmem:$0x5090] =	vst v43  }
0x43: {  	[tilespmem:$0x5020] =	vst v11;
	v11 =	vmul.f32 v6, v10  }
0x44: {  	[tilespmem:$0x50A0] =	vst v44;
	v10 =	vmul.f32 v7, v10  }
0x45: {  	s26 =	sand.u32 $0x70, s3;
	s28 =	sand.u32 $0x3C00, s3;
	[tilespmem:$0x5030] =	vst v11  }
0x46: {  	s0 =	sor.u32 s26, s28;
	[tilespmem:$0x50B0] =	vst v10  }
0x47: {  	v10 =	vld [tilespmem:s0+$0x200]  }
0x48: {  	v11 =	vld [tilespmem:s0+$0x180];
	_ =	sdelay $0x1  }
0x49: {  	v12 =	vld [tilespmem:s0+$0x280];
	_ =	sdelay $0x2  }
0x4a: {  	v13 =	vmul.f32 v11, v11;
	v14 =	vmul.f32 v10, v10;
	_ =	sdelay $0x1  }
0x4b: {  	v45 =	vmul.f32 v12, v12;
	v13 =	vadd.f32 v14, v13;
	_ =	sdelay $0x1  }
0x4c: {  	v13 =	vadd.f32 v45, v13;
	_ =	sdelay $0x1  }
0x4d: {  	v14 =	vshra.s32 v13, $0x1;
	v13 =	vmul.f32 $5.000000000e-01, v13  }
0x4e: {  	v14 =	vsub.s32 $0x5F3759DF, v14  }
0x4f: {  	v15 =	vmul.f32 v14, v13;
	_ =	sdelay $0x1  }
0x50: {  	v15 =	vmul.f32 v14, v15;
	_ =	sdelay $0x1  }
0x51: {  	v15 =	vsub.f32 $1.500000000e+00, v15;
	_ =	sdelay $0x1  }
0x52: {  	v14 =	vmul.f32 v14, v15;
	_ =	sdelay $0x1  }
0x53: {  	v15 =	vmul.f32 v14, v13;
	_ =	sdelay $0x1  }
0x54: {  	v15 =	vmul.f32 v15, v14;
	_ =	sdelay $0x1  }
0x55: {  	v15 =	vsub.f32 $1.500000000e+00, v15;
	_ =	sdelay $0x1  }
0x56: {  	v14 =	vmul.f32 v15, v14;
	_ =	sdelay $0x1  }
0x57: {  	v13 =	vmul.f32 v14, v13;
	_ =	sdelay $0x1  }
0x58: {  	v13 =	vmul.f32 v13, v14;
	_ =	sdelay $0x1  }
0x59: {  	v13 =	vsub.f32 $1.500000000e+00, v13;
	_ =	sdelay $0x1  }
0x5a: {  	v13 =	vmul.f32 v13, v14;
	_ =	sdelay $0x1  }
0x5b: {  	v11 =	vmul.f32 v13, v11;
	v12 =	vmul.f32 v13, v12  }
0x5c: {  	v10 =	vmul.f32 v13, v10  }
0x5d: {  	v46 =	vand.u32 $0x7FFFFFFF, v11;
	v47 =	vand.u32 $0x7FFFFFFF, v12;
	vm0 =	vge.f32 v12, $0.0e+00  }
0x5e: {  	vm1 =	vge.f32 v11, $0.0e+00;
	v48 =	vand.u32 $0x7FFFFFFF, v10;
	vm2 =	vge.f32 v10, $0.0e+00  }
0x5f: {  	vm3 =	vlt.f32 v46, $1.000000010e-10;
	vm4 =	vlt.f32 v47, $1.000000010e-10;
	v49 =	vsel vm0, $0x2EDBE6FF, v8  }
0x60: {  	v50 =	vsel vm1, $0x2EDBE6FF, v8;
	vm14 =	vlt.f32 v48, $1.000000010e-10;
	v13 =	vsel vm4, v49, v12  }
0x61: {  	v51 =	vsel vm2, $0x2EDBE6FF, v8;
	v14 =	vsel vm3, v50, v11;
	(erf) = vrcp.f32 v13  }
0x62: {  	v52 =	vsel vm14, v51, v10;
	(erf) = vrcp.f32 v14  }
0x63: {  	v53 =	vld [tilespmem:s0+$0x100];
	(erf) = vrcp.f32 v52  }
0x64: {  	v54 =	vld [tilespmem:s0+$0x0]  }
0x65: {  	v55 =	vld [tilespmem:s0+$0x80];
	_ =	sdelay $0x2  }
0x66: {  	v16 =	vsub.f32 $-1.000000000e+00, v53  }
0x67: {  	v17 =	vsub.f32 $-1.000000000e+00, v54;
	v14 =	vsub.f32 $1.000000000e+00, v53  }
0x68: {  	v18 =	vsub.f32 $-1.000000000e+00, v55;
	v13 =	vsub.f32 $1.000000000e+00, v54;
	v19 =	vpop (erf)  }
0x69: {  	v15 =	vsub.f32 $1.000000000e+00, v55;
	v16 =	vmul.f32 v19, v16;
	v14 =	vmul.f32 v19, v14;
	v56 =	vpop (erf)  }
0x6a: {  	v17 =	vmul.f32 v56, v17;
	v13 =	vmul.f32 v56, v13;
	v57 =	vpop (erf)  }
0x6b: {  	v18 =	vmul.f32 v57, v18;
	v15 =	vmul.f32 v57, v15  }
0x6c: {  	v60 =	vmin.f32 v16, v14;
	v58 =	vmin.f32 v17, v13  }
0x6d: {  	v13 =	vmax.f32 v17, v13;
	v59 =	vmin.f32 v18, v15;
	v15 =	vmax.f32 v18, v15  }
0x6e: {  	v14 =	vmax.f32 v16, v14;
	v61 =	vmax.f32 v58, v59;
	v13 =	vmin.f32 v13, v15  }
0x6f: {  	v62 =	vmax.f32 v61, v60;
	v13 =	vmin.f32 v13, v14  }
0x70: {  	v63 =	vmax.f32 v62, $0.0e+00;
	v13 =	vmin.f32 v13, $1.000000000e+10  }
0x71: {  	[tilespmem:s0+$0x280] =	vst v12;
	vm15 =	vgt.f32 v13, v63  }
0x72: {  	[tilespmem:s0+$0x200] =	vst v10;
	v10 =	vnsel vm15, $0xFF61B1E6, v13  }
0x73: {  	s29 =	simm.s32 $0x10;
	s2 =	simm.s32 $0x80;
	[tilespmem:s0+$0x180] =	vst v11;
	v10 =	vsub.f32 v10, v63  }
0x74: {  	s30 =	sand.u32 $0x70, s29;
	s31 =	sand.u32 $0x3C00, s2;
	[tilespmem:s10+$0x0] =	vst v63  }
0x75: {  	s23 =	sor.u32 s30, s31;
	[tilespmem:s11+$0x0] =	vst v10  }
0x76: {  	v10 =	vld [tilespmem:s23+$0x200]  }
0x77: {  	v11 =	vld [tilespmem:s23+$0x180]  }
0x78: {  	s22 =	simm.s32 $0x4000;
	s21 =	simm.s32 $0x4800;
	s24 =	simm.s32 $0x20  }
.LBB2_2:
0x79: {  	p0 =	sne.s32 s24, $0x7F0;
	v12 =	vld [tilespmem:s23+$0x280];
	_ =	sdelay $0x2  }
0x7a: {  	v14 =	vmul.f32 v10, v10;
	v13 =	vmul.f32 v11, v11;
	_ =	sdelay $0x1  }
0x7b: {  	v13 =	vadd.f32 v14, v13;
	v14 =	vmul.f32 v12, v12;
	_ =	sdelay $0x1  }
0x7c: {  	v13 =	vadd.f32 v14, v13;
	_ =	sdelay $0x1  }
0x7d: {  	v14 =	vshra.s32 v13, $0x1;
	v13 =	vmul.f32 $5.000000000e-01, v13  }
0x7e: {  	v14 =	vsub.s32 $0x5F3759DF, v14  }
0x7f: {  	v15 =	vmul.f32 v14, v13;
	_ =	sdelay $0x1  }
0x80: {  	v15 =	vmul.f32 v14, v15;
	_ =	sdelay $0x1  }
0x81: {  	v15 =	vsub.f32 $1.500000000e+00, v15;
	_ =	sdelay $0x1  }
0x82: {  	v14 =	vmul.f32 v14, v15;
	_ =	sdelay $0x1  }
0x83: {  	v15 =	vmul.f32 v14, v13;
	_ =	sdelay $0x1  }
0x84: {  	v15 =	vmul.f32 v15, v14;
	_ =	sdelay $0x1  }
0x85: {  	v15 =	vsub.f32 $1.500000000e+00, v15;
	_ =	sdelay $0x1  }
0x86: {  	v14 =	vmul.f32 v15, v14;
	_ =	sdelay $0x1  }
0x87: {  	v13 =	vmul.f32 v14, v13;
	_ =	sdelay $0x1  }
0x88: {  	v13 =	vmul.f32 v13, v14;
	_ =	sdelay $0x1  }
0x89: {  	v13 =	vsub.f32 $1.500000000e+00, v13;
	_ =	sdelay $0x1  }
0x8a: {  	v13 =	vmul.f32 v13, v14;
	_ =	sdelay $0x1  }
0x8b: {  	v11 =	vmul.f32 v13, v11;
	v12 =	vmul.f32 v13, v12  }
0x8c: {  	v10 =	vmul.f32 v13, v10  }
0x8d: {  	[tilespmem:s23+$0x280] =	vst v12;
	v13 =	vand.u32 $0x7FFFFFFF, v11;
	v14 =	vand.u32 $0x7FFFFFFF, v12;
	vm0 =	vge.f32 v12, $0.0e+00  }
0x8e: {  	vm1 =	vge.f32 v11, $0.0e+00;
	v15 =	vand.u32 $0x7FFFFFFF, v10;
	vm2 =	vge.f32 v10, $0.0e+00;
	[tilespmem:s23+$0x200] =	vst v10  }
0x8f: {  	vm3 =	vlt.f32 v13, $1.000000010e-10;
	vm4 =	vlt.f32 v14, $1.000000010e-10;
	v13 =	vsel vm0, $0x2EDBE6FF, v8;
	[tilespmem:s23+$0x180] =	vst v11  }
0x90: {  	v14 =	vsel vm1, $0x2EDBE6FF, v8;
	vm0 =	vlt.f32 v15, $1.000000010e-10;
	v12 =	vsel vm4, v13, v12  }
0x91: {  	v11 =	vsel vm3, v14, v11;
	v13 =	vsel vm2, $0x2EDBE6FF, v8;
	(erf) = vrcp.f32 v12  }
0x92: {  	v10 =	vsel vm0, v13, v10;
	(erf) = vrcp.f32 v11  }
0x93: {  	v11 =	vld [tilespmem:s23+$0x100];
	(erf) = vrcp.f32 v10  }
0x94: {  	v10 =	vld [tilespmem:s23+$0x0]  }
0x95: {  	v12 =	vld [tilespmem:s23+$0x80];
	_ =	sdelay $0x2  }
0x96: {  	v13 =	vsub.f32 $-1.000000000e+00, v11  }
0x97: {  	v11 =	vsub.f32 $1.000000000e+00, v11;
	v14 =	vsub.f32 $-1.000000000e+00, v10  }
0x98: {  	v10 =	vsub.f32 $1.000000000e+00, v10;
	v15 =	vsub.f32 $-1.000000000e+00, v12;
	v16 =	vpop (erf)  }
0x99: {  	v12 =	vsub.f32 $1.000000000e+00, v12;
	v13 =	vmul.f32 v16, v13;
	v11 =	vmul.f32 v16, v11;
	v16 =	vpop (erf)  }
0x9a: {  	v14 =	vmul.f32 v16, v14;
	v10 =	vmul.f32 v16, v10;
	v16 =	vpop (erf)  }
0x9b: {  	v15 =	vmul.f32 v16, v15;
	v12 =	vmul.f32 v16, v12  }
0x9c: {  	v17 =	vmin.f32 v13, v11;
	v16 =	vmin.f32 v14, v10  }
0x9d: {  	v10 =	vmax.f32 v14, v10;
	v14 =	vmin.f32 v15, v12;
	v12 =	vmax.f32 v15, v12  }
0x9e: {  	v11 =	vmax.f32 v13, v11;
	v13 =	vmax.f32 v16, v14;
	v10 =	vmin.f32 v10, v12  }
0x9f: {  	v12 =	vmax.f32 v13, v17;
	v10 =	vmin.f32 v10, v11  }
0xa0: {  	s22 =	sadd.s32 $0x10, s22;
	v11 =	vmax.f32 v12, $0.0e+00;
	v10 =	vmin.f32 v10, $1.000000000e+10  }
0xa1: {  	vm0 =	vgt.f32 v10, v11;
	[tilespmem:s22+$0x0] =	vst v11  }
0xa2: {  	v10 =	vnsel vm0, $0xFF61B1E6, v10  }
0xa3: {  	s2 =	sadd.s32 $0x80, s2;
	s0 =	sand.u32 $0x70, s24;
	v10 =	vsub.f32 v10, v11  }
.Ltmp0:
0xa4: {  	s21 =	sadd.s32 $0x10, s21;
	s1 =	sand.u32 $0x3C00, s2;
	(pc) =	sbr.rel @p0 .LBB2_2-.Ltmp0, $4  }
0xa5: {  	s23 =	sor.u32 s0, s1;
	[tilespmem:s21+$0x0] =	vst v10  }
0xa6: {  	v10 =	vld [tilespmem:s23+$0x200]  }
0xa7: {  	v11 =	vld [tilespmem:s23+$0x180]  }
0xa8: {  	s24 =	sadd.s32 $0x10, s24  }
0xa9: {  	v12 =	vld [tilespmem:s23+$0x280];
	_ =	sdelay $0x2  }
0xaa: {  	v14 =	vmul.f32 v10, v10;
	v13 =	vmul.f32 v11, v11;
	_ =	sdelay $0x1  }
0xab: {  	v13 =	vadd.f32 v14, v13;
	v45 =	vmul.f32 v12, v12;
	_ =	sdelay $0x1  }
0xac: {  	v13 =	vadd.f32 v45, v13;
	_ =	sdelay $0x1  }
0xad: {  	v14 =	vshra.s32 v13, $0x1;
	v13 =	vmul.f32 $5.000000000e-01, v13  }
0xae: {  	v14 =	vsub.s32 $0x5F3759DF, v14  }
0xaf: {  	v15 =	vmul.f32 v14, v13;
	_ =	sdelay $0x1  }
0xb0: {  	v15 =	vmul.f32 v14, v15;
	_ =	sdelay $0x1  }
0xb1: {  	v15 =	vsub.f32 $1.500000000e+00, v15;
	_ =	sdelay $0x1  }
0xb2: {  	v14 =	vmul.f32 v14, v15;
	_ =	sdelay $0x1  }
0xb3: {  	v15 =	vmul.f32 v14, v13;
	_ =	sdelay $0x1  }
0xb4: {  	v15 =	vmul.f32 v15, v14;
	_ =	sdelay $0x1  }
0xb5: {  	v15 =	vsub.f32 $1.500000000e+00, v15;
	_ =	sdelay $0x1  }
0xb6: {  	v14 =	vmul.f32 v15, v14;
	_ =	sdelay $0x1  }
0xb7: {  	v13 =	vmul.f32 v14, v13;
	_ =	sdelay $0x1  }
0xb8: {  	v13 =	vmul.f32 v13, v14;
	_ =	sdelay $0x1  }
0xb9: {  	v13 =	vsub.f32 $1.500000000e+00, v13;
	_ =	sdelay $0x1  }
0xba: {  	v13 =	vmul.f32 v13, v14;
	_ =	sdelay $0x1  }
0xbb: {  	v11 =	vmul.f32 v13, v11;
	v12 =	vmul.f32 v13, v12  }
0xbc: {  	v10 =	vmul.f32 v13, v10  }
0xbd: {  	v46 =	vand.u32 $0x7FFFFFFF, v11;
	v47 =	vand.u32 $0x7FFFFFFF, v12;
	vm0 =	vge.f32 v12, $0.0e+00  }
0xbe: {  	vm1 =	vge.f32 v11, $0.0e+00;
	v48 =	vand.u32 $0x7FFFFFFF, v10;
	vm2 =	vge.f32 v10, $0.0e+00  }
0xbf: {  	vm3 =	vlt.f32 v46, $1.000000010e-10;
	vm4 =	vlt.f32 v47, $1.000000010e-10;
	v49 =	vsel vm0, $0x2EDBE6FF, v8  }
0xc0: {  	v50 =	vsel vm1, $0x2EDBE6FF, v8;
	vm14 =	vlt.f32 v48, $1.000000010e-10;
	v13 =	vsel vm4, v49, v12  }
0xc1: {  	v51 =	vsel vm2, $0x2EDBE6FF, v8;
	v14 =	vsel vm3, v50, v11;
	(erf) = vrcp.f32 v13  }
0xc2: {  	v52 =	vsel vm14, v51, v10;
	(erf) = vrcp.f32 v14  }
0xc3: {  	v53 =	vld [tilespmem:s23+$0x100];
	(erf) = vrcp.f32 v52  }
0xc4: {  	v54 =	vld [tilespmem:s23+$0x0]  }
0xc5: {  	v55 =	vld [tilespmem:s23+$0x80];
	_ =	sdelay $0x2  }
0xc6: {  	v16 =	vsub.f32 $-1.000000000e+00, v53  }
0xc7: {  	v17 =	vsub.f32 $-1.000000000e+00, v54;
	v14 =	vsub.f32 $1.000000000e+00, v53  }
0xc8: {  	v18 =	vsub.f32 $-1.000000000e+00, v55;
	v13 =	vsub.f32 $1.000000000e+00, v54;
	v19 =	vpop (erf)  }
0xc9: {  	v15 =	vsub.f32 $1.000000000e+00, v55;
	v16 =	vmul.f32 v19, v16;
	v14 =	vmul.f32 v19, v14;
	v56 =	vpop (erf)  }
0xca: {  	v17 =	vmul.f32 v56, v17;
	v13 =	vmul.f32 v56, v13;
	v57 =	vpop (erf)  }
0xcb: {  	v18 =	vmul.f32 v57, v18;
	v15 =	vmul.f32 v57, v15  }
0xcc: {  	v60 =	vmin.f32 v16, v14;
	v58 =	vmin.f32 v17, v13  }
0xcd: {  	v13 =	vmax.f32 v17, v13;
	v59 =	vmin.f32 v18, v15;
	v15 =	vmax.f32 v18, v15  }
0xce: {  	v14 =	vmax.f32 v16, v14;
	v61 =	vmax.f32 v58, v59;
	v13 =	vmin.f32 v13, v15  }
0xcf: {  	v62 =	vmax.f32 v61, v60;
	v13 =	vmin.f32 v13, v14  }
0xd0: {  	v63 =	vmax.f32 v62, $0.0e+00;
	v13 =	vmin.f32 v13, $1.000000000e+10  }
0xd1: {  	[tilespmem:s23+$0x280] =	vst v12;
	vm15 =	vgt.f32 v13, v63  }
0xd2: {  	[tilespmem:s23+$0x200] =	vst v10;
	v10 =	vnsel vm15, $0xFF61B1E6, v13  }
0xd3: {  	s0 =	sadd.s32 $0x10, s22;
	[tilespmem:s23+$0x180] =	vst v11;
	v10 =	vsub.f32 v10, v63  }
0xd4: {  	s31 =	sadd.s32 $0x10, s21;
	s21 =	simm.s32 $0x0;
	[tilespmem:s0+$0x0] =	vst v63  }
0xd5: {  	s22 =	simm.s32 $0x40;
	s24 =	simm.s32 $0x0;
	s23 =	simm.s32 $0x0;
	[tilespmem:s31+$0x0] =	vst v10  }
.LBB2_4:
0xd6: {  	p0 =	seq.s32 s24, $0x0  }
0xd7: {  	s0 =	simm.s32 @!p0 $0x1  }
0xd8: {  	_ =	swait.ge @!p0 [sflag:s0], $0x8000  }
0xd9: {  	[sflag:s0] =	ssyncset.done @!p0 $0x0  }
0xda: {  	v11 =	vmov s23;
	[sflag:s0] =	ssyncadd.s32 @!p0 $0xFFFF8000;
	s0 =	simm.s32 @!p0 $0x3  }
0xdb: {  	v10 =	vshll.u32 v11, $0x3;
	_ =	swait.ge @!p0 [sflag:s0], $0x1000  }
0xdc: {  	v12 =	vand.u32 $0x3F, v11;
	v10 =	vand.u32 $0x3C00, v10;
	[sflag:s0] =	ssyncset.done @!p0 $0x0  }
0xdd: {  	v12 =	vor.u32 v12, v10;
	[sflag:s0] =	ssyncadd.s32 @!p0 $0xFFFFF000  }
0xde: {  	v13 =	vor.u32 $0x80, v12;
	v14 =	vld [tilespmem:$0x5000]  }
0xdf: {  	v15 =	vor.u32 $0x100, v12;
	v10 =	vld.idx.msk [tilespmem:v11+s10+$0x0], $0xffff  }
0xe0: {  	v16 =	vor.u32 $0x180, v12;
	v17 =	vld [tilespmem:$0x5080]  }
0xe1: {  	v18 =	vor.u32 $0x200, v12;
	v11 =	vld.idx.msk [tilespmem:v11+s11+$0x0], $0xffff  }
0xe2: {  	v19 =	vor.u32 $0x280, v12;
	v12 =	vld.idx.msk [tilespmem:v12+s3+$0x0], $0xffff  }
0xe3: {  	v13 =	vld.idx.msk [tilespmem:v13+s3+$0x0], $0xffff  }
0xe4: {  	v15 =	vld.idx.msk [tilespmem:v15+s3+$0x0], $0xffff  }
0xe5: {  	s4 =	sand.u32 $0x7C00, s21;
	v16 =	vld.idx.msk [tilespmem:v16+s3+$0x0], $0xffff  }
0xe6: {  	s1 =	sadd.s32 $0x5180, s4;
	s0 =	sand.u32 $0x40, s21;
	v18 =	vld.idx.msk [tilespmem:v18+s3+$0x0], $0xffff;
	vm0 =	vle.f32 v17, v11  }
0xe7: {  	s7 =	sadd.s32 $0x5200, s4;
	s8 =	sor.u32 s0, s1;
	v19 =	vld.idx.msk [tilespmem:v19+s3+$0x0], $0xffff;
	v20 =	vnsel vm0, $0x0, v12  }
0xe8: {  	s2 =	sadd.s32 $0x5280, s4;
	s17 =	sor.u32 s0, s7;
	v47 =	vnsel vm0, $0x0, v13;
	[tilespmem:s8+$0x0] =	vst v20  }
0xe9: {  	s16 =	sor.u32 $0x200, s21;
	s4 =	sadd.s32 $0x5300, s4;
	s18 =	sor.u32 s0, s2;
	v48 =	vnsel vm0, $0x0, v15;
	[tilespmem:s17+$0x0] =	vst v47  }
0xea: {  	s19 =	sor.u32 $0x280, s21;
	v49 =	vnsel vm0, $0x0, v16;
	s8 =	sadd.s32 $0x5180, s16;
	s17 =	sor.u32 s0, s4;
	[tilespmem:s18+$0x0] =	vst v48  }
0xeb: {  	v14 =	vadd.f32 v14, v10;
	v50 =	vnsel vm0, $0x0, v18;
	s16 =	sadd.s32 $0x5180, s19;
	s20 =	sadd.s32 s0, s8;
	s18 =	sor.u32 $0x300, s21;
	[tilespmem:s17+$0x0] =	vst v49  }
0xec: {  	s25 =	sor.u32 $0x380, s21;
	v17 =	vadd.f32 v17, v10;
	v51 =	vnsel vm0, $0x0, v19;
	s19 =	sadd.s32 s0, s16;
	s17 =	sadd.s32 $0x5180, s18;
	[tilespmem:s20+$0x0] =	vst v50  }
0xed: {  	v14 =	vnsel vm0, $0x0, v14;
	s18 =	sadd.s32 $0x5180, s25;
	s26 =	sadd.s32 s0, s17;
	[tilespmem:s19+$0x0] =	vst v51  }
0xee: {  	s31 =	sadd.s32 s0, s18;
	[tilespmem:s26+$0x0] =	vst v14;
	v14 =	vnsel vm0, $0x0, v17  }
0xef: {  	s25 =	simm.s32 $0x151A0;
	[tilespmem:s31+$0x0] =	vst v14;
	v14 =	vsel vm0, $0x1, v9  }
0xf0: {  	[tilespmem:s25+$0xFFFFFFE0] =	vst v14  }
0xf1: {  	v14 =	vld [tilespmem:$0x5090];
	_ =	sdelay $0x4  }
0xf2: {  	s19 =	sor.u32 $0x10, s0;
	v52 =	vld [tilespmem:$0x5010];
	vm13 =	vle.f32 v14, v11  }
0xf3: {  	s26 =	sor.u32 s19, s1;
	v53 =	vnsel vm13, $0x0, v12  }
0xf4: {  	s9 =	sor.u32 s19, s7;
	v21 =	vnsel vm13, $0x0, v13;
	[tilespmem:s26+$0x0] =	vst v53  }
0xf5: {  	s28 =	sor.u32 s19, s2;
	v54 =	vnsel vm13, $0x0, v15;
	[tilespmem:s9+$0x0] =	vst v21  }
0xf6: {  	s12 =	sor.u32 s19, s4;
	v55 =	vnsel vm13, $0x0, v16;
	[tilespmem:s28+$0x0] =	vst v54  }
0xf7: {  	v17 =	vadd.f32 v52, v10;
	v56 =	vnsel vm13, $0x0, v18;
	s28 =	sadd.s32 s19, s8;
	[tilespmem:s12+$0x0] =	vst v55  }
0xf8: {  	s20 =	sadd.s32 s19, s16;
	v14 =	vadd.f32 v14, v10;
	v57 =	vnsel vm13, $0x0, v19;
	[tilespmem:s28+$0x0] =	vst v56  }
0xf9: {  	s31 =	sadd.s32 s19, s17;
	v17 =	vnsel vm13, $0x0, v17;
	[tilespmem:s20+$0x0] =	vst v57  }
0xfa: {  	v14 =	vnsel vm13, $0x0, v14;
	s19 =	sadd.s32 s19, s18;
	[tilespmem:s31+$0x0] =	vst v17  }
0xfb: {  	[tilespmem:s19+$0x0] =	vst v14;
	v14 =	vsel vm13, $0x1, v9  }
0xfc: {  	[tilespmem:s25+$0xFFFFFFF0] =	vst v14  }
0xfd: {  	v14 =	vld [tilespmem:$0x50A0];
	_ =	sdelay $0x4  }
0xfe: {  	s19 =	sor.u32 $0x20, s0;
	v17 =	vld [tilespmem:$0x5020];
	vm14 =	vle.f32 v14, v11  }
0xff: {  	s9 =	sor.u32 s19, s1;
	v58 =	vnsel vm14, $0x0, v12  }
0x100: {  	s12 =	sor.u32 s19, s7;
	v59 =	vnsel vm14, $0x0, v13;
	[tilespmem:s9+$0x0] =	vst v58  }
0x101: {  	s28 =	sor.u32 s19, s2;
	v60 =	vnsel vm14, $0x0, v15;
	[tilespmem:s12+$0x0] =	vst v59  }
0x102: {  	s20 =	sor.u32 s19, s4;
	v61 =	vnsel vm14, $0x0, v16;
	[tilespmem:s28+$0x0] =	vst v60  }
0x103: {  	v17 =	vadd.f32 v17, v10;
	v62 =	vnsel vm14, $0x0, v18;
	s28 =	sadd.s32 s19, s8;
	[tilespmem:s20+$0x0] =	vst v61  }
0x104: {  	s31 =	sadd.s32 s19, s16;
	v14 =	vadd.f32 v14, v10;
	v63 =	vnsel vm14, $0x0, v19;
	[tilespmem:s28+$0x0] =	vst v62  }
0x105: {  	v17 =	vnsel vm14, $0x0, v17;
	s9 =	sadd.s32 s19, s17;
	[tilespmem:s31+$0x0] =	vst v63  }
0x106: {  	v14 =	vnsel vm14, $0x0, v14;
	s19 =	sadd.s32 s19, s18;
	[tilespmem:s9+$0x0] =	vst v17  }
0x107: {  	[tilespmem:s19+$0x0] =	vst v14;
	v14 =	vsel vm14, $0x1, v9  }
0x108: {  	[tilespmem:s25+$0x0] =	vst v14  }
0x109: {  	v14 =	vld [tilespmem:$0x50B0];
	_ =	sdelay $0x4  }
0x10a: {  	s0 =	sor.u32 $0x30, s0;
	v17 =	vld [tilespmem:$0x5030];
	vm15 =	vle.f32 v14, v11  }
0x10b: {  	s1 =	sor.u32 s0, s1;
	v11 =	vnsel vm15, $0x0, v12  }
0x10c: {  	s12 =	sor.u32 s0, s7;
	v12 =	vnsel vm15, $0x0, v13;
	[tilespmem:s1+$0x0] =	vst v11  }
0x10d: {  	s2 =	sor.u32 s0, s2;
	v11 =	vnsel vm15, $0x0, v15;
	[tilespmem:s12+$0x0] =	vst v12  }
0x10e: {  	s19 =	sor.u32 s0, s4;
	v12 =	vnsel vm15, $0x0, v16;
	[tilespmem:s2+$0x0] =	vst v11  }
0x10f: {  	s20 =	sadd.s32 s0, s8;
	v13 =	vadd.f32 v17, v10;
	v11 =	vnsel vm15, $0x0, v18;
	[tilespmem:s19+$0x0] =	vst v12  }
0x110: {  	s29 =	sadd.s32 $0x1, s23;
	s26 =	sadd.s32 s0, s16;
	v10 =	vadd.f32 v14, v10;
	v12 =	vnsel vm15, $0x0, v19;
	[tilespmem:s20+$0x0] =	vst v11  }
0x111: {  	s31 =	sadd.s32 s0, s17;
	v13 =	vnsel vm15, $0x0, v13;
	v11 =	vmov s29;
	[tilespmem:s26+$0x0] =	vst v12  }
0x112: {  	s0 =	sadd.s32 s0, s18;
	v14 =	vnsel vm15, $0x0, v10;
	v12 =	vshll.u32 v11, $0x3;
	[tilespmem:s31+$0x0] =	vst v13  }
0x113: {  	s30 =	simm.s32 $0x400;
	s28 =	simm.s32 $0x0;
	s26 =	simm.s32 $0x200;
	v10 =	vand.u32 $0x3F, v11;
	v12 =	vand.u32 $0x3C00, v12;
	v13 =	vsel vm15, $0x1, v9;
	[tilespmem:s0+$0x0] =	vst v14  }
.LBB2_5:
0x114: {  	p1 =	sne.s32 s30, $0x7E00;
	v12 =	vor.u32 v10, v12;
	[tilespmem:s25+$0x10] =	vst v13;
	s28 =	sadd.s32 $0x40, s28;
	s25 =	sadd.s32 $0x40, s25  }
0x115: {  	s18 =	smov.u32 s30;
	s30 =	sadd.s32 $0x200, s30;
	v13 =	vor.u32 $0x80, v12;
	v14 =	vor.u32 $0x100, v12;
	v15 =	vor.u32 $0x180, v12;
	v17 =	vld [tilespmem:$0x5000]  }
0x116: {  	v18 =	vor.u32 $0x200, v12;
	v19 =	vor.u32 $0x280, v12;
	v10 =	vld.idx.msk [tilespmem:v11+s10+$0x0], $0xffff  }
0x117: {  	v20 =	vld [tilespmem:$0x5080]  }
0x118: {  	v16 =	vld.idx.msk [tilespmem:v11+s11+$0x0], $0xffff  }
0x119: {  	v12 =	vld.idx.msk [tilespmem:v12+s3+$0x0], $0xffff  }
0x11a: {  	v13 =	vld.idx.msk [tilespmem:v13+s3+$0x0], $0xffff  }
0x11b: {  	v14 =	vld.idx.msk [tilespmem:v14+s3+$0x0], $0xffff  }
0x11c: {  	v21 =	vadd.f32 v17, v10;
	v11 =	vld.idx.msk [tilespmem:v15+s3+$0x0], $0xffff;
	v22 =	vadd.f32 v20, v10  }
0x11d: {  	s4 =	sand.u32 $0x7C00, s26;
	s2 =	sand.u32 $0x40, s28;
	v17 =	vld.idx.msk [tilespmem:v18+s3+$0x0], $0xffff  }
0x11e: {  	s0 =	sadd.s32 $0x5180, s4;
	s1 =	sadd.s32 $0x5280, s4;
	s31 =	sadd.s32 $0x5300, s4;
	vm0 =	vle.f32 v20, v16;
	v15 =	vld.idx.msk [tilespmem:v19+s3+$0x0], $0xffff  }
0x11f: {  	s8 =	sadd.s32 $0x5200, s4;
	s7 =	sor.u32 s2, s0;
	v18 =	vnsel vm0, $0x0, v12;
	v19 =	vnsel vm0, $0x0, v21  }
0x120: {  	s4 =	sor.u32 s2, s8;
	[tilespmem:s7+$0x0] =	vst v18;
	v18 =	vnsel vm0, $0x0, v13  }
0x121: {  	s7 =	sor.u32 $0x200, s26;
	[tilespmem:s4+$0x0] =	vst v18;
	v18 =	vnsel vm0, $0x0, v14;
	s4 =	sor.u32 s2, s1  }
0x122: {  	s16 =	sor.u32 s2, s31;
	[tilespmem:s4+$0x0] =	vst v18;
	v18 =	vnsel vm0, $0x0, v11;
	s4 =	sadd.s32 $0x5180, s7;
	s7 =	sor.u32 $0x280, s26  }
0x123: {  	s17 =	sor.u32 $0x300, s26;
	[tilespmem:s16+$0x0] =	vst v18;
	v18 =	vnsel vm0, $0x0, v17;
	s16 =	sadd.s32 s2, s4;
	s7 =	sadd.s32 $0x5180, s7  }
0x124: {  	[tilespmem:s16+$0x0] =	vst v18;
	v18 =	vnsel vm0, $0x0, v15;
	s19 =	sadd.s32 s2, s7;
	s16 =	sadd.s32 $0x5180, s17;
	s17 =	sor.u32 $0x380, s26  }
0x125: {  	s26 =	smov.u32 s18;
	[tilespmem:s19+$0x0] =	vst v18;
	s19 =	sadd.s32 s2, s16;
	s17 =	sadd.s32 $0x5180, s17  }
0x126: {  	v18 =	vnsel vm0, $0x0, v22;
	[tilespmem:s19+$0x0] =	vst v19;
	s18 =	sadd.s32 s2, s17  }
0x127: {  	[tilespmem:s18+$0x0] =	vst v18;
	v18 =	vsel vm0, $0x1, v9  }
0x128: {  	[tilespmem:s25+$0xFFFFFFE0] =	vst v18  }
0x129: {  	v18 =	vld [tilespmem:$0x5090];
	_ =	sdelay $0x4  }
0x12a: {  	s18 =	sor.u32 $0x10, s2;
	v19 =	vld [tilespmem:$0x5010];
	vm0 =	vle.f32 v18, v16;
	v18 =	vadd.f32 v18, v10  }
0x12b: {  	s19 =	sor.u32 s18, s0;
	s9 =	sor.u32 s18, s1;
	s20 =	sadd.s32 s18, s4;
	v20 =	vnsel vm0, $0x0, v12;
	v21 =	vnsel vm0, $0x0, v13;
	v22 =	vnsel vm0, $0x0, v14  }
0x12c: {  	v23 =	vnsel vm0, $0x0, v17;
	v24 =	vnsel vm0, $0x0, v15;
	[tilespmem:s19+$0x0] =	vst v20;
	s19 =	sor.u32 s18, s8;
	v20 =	vnsel vm0, $0x0, v11  }
0x12d: {  	v18 =	vnsel vm0, $0x0, v18;
	[tilespmem:s19+$0x0] =	vst v21  }
0x12e: {  	[tilespmem:s9+$0x0] =	vst v22;
	s9 =	sor.u32 s18, s31  }
0x12f: {  	[tilespmem:s9+$0x0] =	vst v20;
	v19 =	vadd.f32 v19, v10  }
0x130: {  	s9 =	sadd.s32 s18, s7;
	[tilespmem:s20+$0x0] =	vst v23  }
0x131: {  	[tilespmem:s9+$0x0] =	vst v24;
	v19 =	vnsel vm0, $0x0, v19;
	s9 =	sadd.s32 s18, s16  }
0x132: {  	[tilespmem:s9+$0x0] =	vst v19;
	s9 =	sadd.s32 s18, s17  }
0x133: {  	[tilespmem:s9+$0x0] =	vst v18;
	v18 =	vsel vm0, $0x1, v9  }
0x134: {  	[tilespmem:s25+$0xFFFFFFF0] =	vst v18  }
0x135: {  	v18 =	vld [tilespmem:$0x50A0];
	_ =	sdelay $0x4  }
0x136: {  	s9 =	sor.u32 $0x20, s2;
	v19 =	vld [tilespmem:$0x5020];
	vm0 =	vle.f32 v18, v16;
	v18 =	vadd.f32 v18, v10  }
0x137: {  	s18 =	sor.u32 s9, s0;
	s19 =	sor.u32 s9, s1;
	s20 =	sadd.s32 s9, s4;
	v20 =	vnsel vm0, $0x0, v12;
	v21 =	vnsel vm0, $0x0, v13;
	v22 =	vnsel vm0, $0x0, v14  }
0x138: {  	v23 =	vnsel vm0, $0x0, v17;
	v24 =	vnsel vm0, $0x0, v15;
	[tilespmem:s18+$0x0] =	vst v20;
	s18 =	sor.u32 s9, s8;
	v20 =	vnsel vm0, $0x0, v11  }
0x139: {  	v18 =	vnsel vm0, $0x0, v18;
	[tilespmem:s18+$0x0] =	vst v21  }
0x13a: {  	s18 =	sor.u32 s9, s31;
	[tilespmem:s19+$0x0] =	vst v22  }
0x13b: {  	[tilespmem:s18+$0x0] =	vst v20;
	v19 =	vadd.f32 v19, v10  }
0x13c: {  	s18 =	sadd.s32 s9, s7;
	[tilespmem:s20+$0x0] =	vst v23  }
0x13d: {  	[tilespmem:s18+$0x0] =	vst v24;
	v19 =	vnsel vm0, $0x0, v19;
	s18 =	sadd.s32 s9, s16  }
0x13e: {  	s9 =	sadd.s32 s9, s17;
	[tilespmem:s18+$0x0] =	vst v19  }
0x13f: {  	[tilespmem:s9+$0x0] =	vst v18;
	v18 =	vsel vm0, $0x1, v9  }
0x140: {  	[tilespmem:s25+$0x0] =	vst v18  }
0x141: {  	v18 =	vld [tilespmem:$0x50B0]  }
0x142: {  	v19 =	vld [tilespmem:$0x5030];
	_ =	sdelay $0x3  }
0x143: {  	s2 =	sor.u32 $0x30, s2;
	vm0 =	vle.f32 v18, v16;
	v16 =	vadd.f32 v18, v10  }
0x144: {  	s0 =	sor.u32 s2, s0;
	s1 =	sor.u32 s2, s1;
	v12 =	vnsel vm0, $0x0, v12;
	v13 =	vnsel vm0, $0x0, v13;
	v14 =	vnsel vm0, $0x0, v14  }
0x145: {  	v11 =	vnsel vm0, $0x0, v11;
	v10 =	vadd.f32 v19, v10;
	[tilespmem:s0+$0x0] =	vst v12;
	s0 =	sor.u32 s2, s8;
	v12 =	vnsel vm0, $0x0, v17  }
0x146: {  	[tilespmem:s0+$0x0] =	vst v13;
	v13 =	vnsel vm0, $0x0, v15;
	v15 =	vnsel vm0, $0x0, v16  }
0x147: {  	s0 =	sor.u32 s2, s31;
	v10 =	vnsel vm0, $0x0, v10;
	[tilespmem:s1+$0x0] =	vst v14  }
.Ltmp1:
0x148: {  	[tilespmem:s0+$0x0] =	vst v11;
	s0 =	sadd.s32 s2, s4;
	(pc) =	sbr.rel @p1 .LBB2_5-.Ltmp1, $4  }
0x149: {  	s29 =	sadd.s32 $0x1, s29;
	[tilespmem:s0+$0x0] =	vst v12;
	s0 =	sadd.s32 s2, s7  }
0x14a: {  	v11 =	vmov s29;
	[tilespmem:s0+$0x0] =	vst v13;
	s0 =	sadd.s32 s2, s16  }
0x14b: {  	v12 =	vshll.u32 v11, $0x3;
	[tilespmem:s0+$0x0] =	vst v10;
	s0 =	sadd.s32 s2, s17  }
0x14c: {  	v12 =	vand.u32 $0x3C00, v12;
	v13 =	vsel vm0, $0x1, v9;
	v10 =	vand.u32 $0x3F, v11;
	[tilespmem:s0+$0x0] =	vst v15  }
0x14d: {  	_ =	sdelay $0x1  }
0x14e: {  	v12 =	vor.u32 v10, v12;
	[tilespmem:s25+$0x10] =	vst v13  }
0x14f: {  	v13 =	vor.u32 $0x80, v12;
	v14 =	vld [tilespmem:$0x5000]  }
0x150: {  	v15 =	vor.u32 $0x100, v12;
	v10 =	vld.idx.msk [tilespmem:v11+s10+$0x0], $0xffff  }
0x151: {  	v16 =	vor.u32 $0x180, v12;
	v17 =	vld [tilespmem:$0x5080]  }
0x152: {  	v18 =	vor.u32 $0x200, v12;
	v11 =	vld.idx.msk [tilespmem:v11+s11+$0x0], $0xffff  }
0x153: {  	v19 =	vor.u32 $0x280, v12;
	v12 =	vld.idx.msk [tilespmem:v12+s3+$0x0], $0xffff  }
0x154: {  	v13 =	vld.idx.msk [tilespmem:v13+s3+$0x0], $0xffff  }
0x155: {  	v15 =	vld.idx.msk [tilespmem:v15+s3+$0x0], $0xffff  }
0x156: {  	s0 =	sadd.s32 $0x40, s28;
	s4 =	sand.u32 $0x7C00, s26;
	v16 =	vld.idx.msk [tilespmem:v16+s3+$0x0], $0xffff  }
0x157: {  	s0 =	sand.u32 $0x40, s0;
	s1 =	sadd.s32 $0x5180, s4;
	v18 =	vld.idx.msk [tilespmem:v18+s3+$0x0], $0xffff;
	vm0 =	vle.f32 v17, v11  }
0x158: {  	s7 =	sadd.s32 $0x5200, s4;
	s8 =	sor.u32 s0, s1;
	v19 =	vld.idx.msk [tilespmem:v19+s3+$0x0], $0xffff;
	v20 =	vnsel vm0, $0x0, v12  }
0x159: {  	s2 =	sadd.s32 $0x5280, s4;
	s18 =	sor.u32 s0, s7;
	[tilespmem:s8+$0x0] =	vst v20;
	v24 =	vnsel vm0, $0x0, v13  }
0x15a: {  	s9 =	sor.u32 $0x200, s26;
	s4 =	sadd.s32 $0x5300, s4;
	s19 =	sor.u32 s0, s2;
	v25 =	vnsel vm0, $0x0, v15;
	[tilespmem:s18+$0x0] =	vst v24  }
0x15b: {  	s20 =	sor.u32 $0x280, s26;
	s16 =	sor.u32 s0, s4;
	v26 =	vnsel vm0, $0x0, v16;
	s8 =	sadd.s32 $0x5180, s9;
	[tilespmem:s19+$0x0] =	vst v25  }
0x15c: {  	s12 =	sor.u32 $0x300, s26;
	v14 =	vadd.f32 v14, v10;
	v27 =	vnsel vm0, $0x0, v18;
	s17 =	sadd.s32 s0, s8;
	[tilespmem:s16+$0x0] =	vst v26;
	s16 =	sadd.s32 $0x5180, s20  }
0x15d: {  	v17 =	vadd.f32 v17, v10;
	v28 =	vnsel vm0, $0x0, v19;
	s19 =	sor.u32 $0x380, s26;
	[tilespmem:s17+$0x0] =	vst v27;
	s18 =	sadd.s32 s0, s16;
	s17 =	sadd.s32 $0x5180, s12  }
0x15e: {  	v14 =	vnsel vm0, $0x0, v14;
	s26 =	sadd.s32 $0x5180, s19;
	[tilespmem:s18+$0x0] =	vst v28;
	s20 =	sadd.s32 s0, s17  }
0x15f: {  	s9 =	sadd.s32 s0, s26;
	[tilespmem:s20+$0x0] =	vst v14;
	v14 =	vnsel vm0, $0x0, v17  }
0x160: {  	s18 =	sadd.s32 $0x40, s25;
	[tilespmem:s9+$0x0] =	vst v14;
	v14 =	vsel vm0, $0x1, v9  }
0x161: {  	[tilespmem:s18+$0xFFFFFFE0] =	vst v14  }
0x162: {  	v14 =	vld [tilespmem:$0x5090];
	_ =	sdelay $0x4  }
0x163: {  	s9 =	sor.u32 $0x10, s0;
	v29 =	vld [tilespmem:$0x5010];
	vm9 =	vle.f32 v14, v11  }
0x164: {  	s19 =	sor.u32 s9, s1;
	v30 =	vnsel vm9, $0x0, v12  }
0x165: {  	s12 =	sor.u32 s9, s7;
	v21 =	vnsel vm9, $0x0, v13;
	[tilespmem:s19+$0x0] =	vst v30  }
0x166: {  	s20 =	sor.u32 s9, s2;
	v31 =	vnsel vm9, $0x0, v15;
	[tilespmem:s12+$0x0] =	vst v21  }
0x167: {  	s25 =	sor.u32 s9, s4;
	v32 =	vnsel vm9, $0x0, v16;
	[tilespmem:s20+$0x0] =	vst v31  }
0x168: {  	v17 =	vadd.f32 v29, v10;
	v33 =	vnsel vm9, $0x0, v18;
	s12 =	sadd.s32 s9, s8;
	[tilespmem:s25+$0x0] =	vst v32  }
0x169: {  	v14 =	vadd.f32 v14, v10;
	v34 =	vnsel vm9, $0x0, v19;
	s25 =	sadd.s32 s9, s16;
	[tilespmem:s12+$0x0] =	vst v33  }
0x16a: {  	v17 =	vnsel vm9, $0x0, v17;
	s12 =	sadd.s32 s9, s17;
	[tilespmem:s25+$0x0] =	vst v34  }
0x16b: {  	v14 =	vnsel vm9, $0x0, v14;
	s9 =	sadd.s32 s9, s26;
	[tilespmem:s12+$0x0] =	vst v17  }
0x16c: {  	[tilespmem:s9+$0x0] =	vst v14;
	v14 =	vsel vm9, $0x1, v9  }
0x16d: {  	[tilespmem:s18+$0xFFFFFFF0] =	vst v14  }
0x16e: {  	v14 =	vld [tilespmem:$0x50A0];
	_ =	sdelay $0x4  }
0x16f: {  	s9 =	sor.u32 $0x20, s0;
	v17 =	vld [tilespmem:$0x5020];
	vm10 =	vle.f32 v14, v11  }
0x170: {  	s20 =	sor.u32 s9, s1;
	v35 =	vnsel vm10, $0x0, v12  }
0x171: {  	s25 =	sor.u32 s9, s7;
	v36 =	vnsel vm10, $0x0, v13;
	[tilespmem:s20+$0x0] =	vst v35  }
0x172: {  	s12 =	sor.u32 s9, s2;
	v37 =	vnsel vm10, $0x0, v15;
	[tilespmem:s25+$0x0] =	vst v36  }
0x173: {  	v38 =	vnsel vm10, $0x0, v16;
	s25 =	sor.u32 s9, s4;
	[tilespmem:s12+$0x0] =	vst v37  }
0x174: {  	v17 =	vadd.f32 v17, v10;
	v39 =	vnsel vm10, $0x0, v18;
	s12 =	sadd.s32 s9, s8;
	[tilespmem:s25+$0x0] =	vst v38  }
0x175: {  	v14 =	vadd.f32 v14, v10;
	v40 =	vnsel vm10, $0x0, v19;
	s25 =	sadd.s32 s9, s16;
	[tilespmem:s12+$0x0] =	vst v39  }
0x176: {  	v17 =	vnsel vm10, $0x0, v17;
	s12 =	sadd.s32 s9, s17;
	[tilespmem:s25+$0x0] =	vst v40  }
0x177: {  	v14 =	vnsel vm10, $0x0, v14;
	s9 =	sadd.s32 s9, s26;
	[tilespmem:s12+$0x0] =	vst v17  }
0x178: {  	[tilespmem:s9+$0x0] =	vst v14;
	v14 =	vsel vm10, $0x1, v9  }
0x179: {  	[tilespmem:s18+$0x0] =	vst v14  }
0x17a: {  	v14 =	vld [tilespmem:$0x50B0];
	_ =	sdelay $0x4  }
0x17b: {  	s0 =	sor.u32 $0x30, s0;
	v17 =	vld [tilespmem:$0x5030];
	vm11 =	vle.f32 v14, v11  }
0x17c: {  	s1 =	sor.u32 s0, s1;
	v11 =	vnsel vm11, $0x0, v12  }
0x17d: {  	s20 =	sor.u32 s0, s7;
	v12 =	vnsel vm11, $0x0, v13;
	[tilespmem:s1+$0x0] =	vst v11  }
0x17e: {  	s2 =	sor.u32 s0, s2;
	v11 =	vnsel vm11, $0x0, v15;
	[tilespmem:s20+$0x0] =	vst v12  }
0x17f: {  	s25 =	sor.u32 s0, s4;
	v12 =	vnsel vm11, $0x0, v16;
	[tilespmem:s2+$0x0] =	vst v11  }
0x180: {  	v13 =	vadd.f32 v17, v10;
	v11 =	vnsel vm11, $0x0, v18;
	s2 =	sadd.s32 s0, s8;
	[tilespmem:s25+$0x0] =	vst v12  }
0x181: {  	s4 =	sadd.s32 s0, s16;
	v10 =	vadd.f32 v14, v10;
	v12 =	vnsel vm11, $0x0, v19;
	[tilespmem:s2+$0x0] =	vst v11  }
0x182: {  	s7 =	sadd.s32 s0, s17;
	v11 =	vnsel vm11, $0x0, v13;
	[tilespmem:s4+$0x0] =	vst v12  }
0x183: {  	v10 =	vnsel vm11, $0x0, v10;
	s0 =	sadd.s32 s0, s26;
	[tilespmem:s7+$0x0] =	vst v11  }
0x184: {  	s8 =	sshll.u32 s24, $0xD;
	[tilespmem:s0+$0x0] =	vst v10;
	v10 =	vsel vm11, $0x1, v9  }
0x185: {  	s12 =	simm.s32 $0x5180;
	s9 =	sshll.u32 s24, $0xA;
	s0 =	sadd.s32 s8, s5;
	[tilespmem:s18+$0x10] =	vst v10  }
0x186: {  	[hbm4b:s0+s3] =	stream.linear.scatter [tilespmem:s12], [sflag:$0x1], $0x8000, $0x38;
	[tilespmem:$0x17180] =	vst v63  }
0x187: {  	s16 =	sadd.s32 s9, s6;
	s0 =	simm.s32 @!p0 $0x2  }
0x188: {  	[hbm4b:s16+s3] =	stream.linear.scatter [tilespmem:s13], [sflag:$0x3], $0x1000, $0x38;
	[tilespmem:$0x17180] =	vst v63  }
0x189: {  	_ =	swait.ge @!p0 [sflag:s0], $0x8000  }
0x18a: {  	[sflag:s0] =	ssyncset.done @!p0 $0x0  }
0x18b: {  	v11 =	vmov s22;
	[sflag:s0] =	ssyncadd.s32 @!p0 $0xFFFF8000;
	s0 =	simm.s32 @!p0 $0x4  }
0x18c: {  	v10 =	vshll.u32 v11, $0x3;
	_ =	swait.ge @!p0 [sflag:s0], $0x1000  }
0x18d: {  	v12 =	vand.u32 $0x7F, v11;
	v10 =	vand.u32 $0x7FFFFC00, v10;
	[sflag:s0] =	ssyncset.done @!p0 $0x0  }
0x18e: {  	v12 =	vor.u32 v12, v10;
	[sflag:s0] =	ssyncadd.s32 @!p0 $0xFFFFF000  }
0x18f: {  	v13 =	vor.u32 $0x80, v12;
	v14 =	vld [tilespmem:$0x5000]  }
0x190: {  	v15 =	vor.u32 $0x100, v12;
	v10 =	vld.idx.msk [tilespmem:v11+s10+$0x0], $0xffff  }
0x191: {  	v41 =	vor.u32 $0x180, v12;
	v42 =	vld [tilespmem:$0x5080]  }
0x192: {  	v43 =	vor.u32 $0x200, v12;
	v11 =	vld.idx.msk [tilespmem:v11+s11+$0x0], $0xffff  }
0x193: {  	v44 =	vor.u32 $0x280, v12;
	v12 =	vld.idx.msk [tilespmem:v12+s3+$0x0], $0xffff  }
0x194: {  	v13 =	vld.idx.msk [tilespmem:v13+s3+$0x0], $0xffff  }
0x195: {  	s26 =	simm.s32 $0x0;
	v15 =	vld.idx.msk [tilespmem:v15+s3+$0x0], $0xffff  }
0x196: {  	s17 =	sand.u32 $0x7C00, s26;
	v16 =	vld.idx.msk [tilespmem:v41+s3+$0x0], $0xffff  }
0x197: {  	s2 =	sadd.s32 $0xD180, s17;
	s0 =	sand.u32 $0x40, s26;
	v18 =	vld.idx.msk [tilespmem:v43+s3+$0x0], $0xffff;
	vm12 =	vle.f32 v42, v11  }
0x198: {  	s7 =	sadd.s32 $0xD200, s17;
	v19 =	vld.idx.msk [tilespmem:v44+s3+$0x0], $0xffff;
	s18 =	sor.u32 s0, s2;
	v45 =	vnsel vm12, $0x0, v12  }
0x199: {  	s1 =	sadd.s32 $0xD280, s17;
	s19 =	sor.u32 s0, s7;
	v46 =	vnsel vm12, $0x0, v13;
	[tilespmem:s18+$0x0] =	vst v45  }
0x19a: {  	s25 =	sor.u32 $0x8200, s26;
	s4 =	sadd.s32 $0xD300, s17;
	s20 =	sor.u32 s0, s1;
	v47 =	vnsel vm12, $0x0, v15;
	[tilespmem:s19+$0x0] =	vst v46  }
0x19b: {  	s17 =	sor.u32 $0x8280, s26;
	s8 =	sadd.s32 $0x5180, s25;
	s12 =	sor.u32 s0, s4;
	v48 =	vnsel vm12, $0x0, v16;
	[tilespmem:s20+$0x0] =	vst v47  }
0x19c: {  	s16 =	sadd.s32 $0x5180, s17;
	v14 =	vadd.f32 v14, v10;
	v49 =	vnsel vm12, $0x0, v18;
	s18 =	sadd.s32 s0, s8;
	s19 =	sor.u32 $0x8300, s26;
	[tilespmem:s12+$0x0] =	vst v48  }
0x19d: {  	s25 =	sor.u32 $0x8380, s26;
	v17 =	vadd.f32 v42, v10;
	v50 =	vnsel vm12, $0x0, v19;
	s20 =	sadd.s32 s0, s16;
	s17 =	sadd.s32 $0x5180, s19;
	[tilespmem:s18+$0x0] =	vst v49  }
0x19e: {  	v14 =	vnsel vm12, $0x0, v14;
	s12 =	sadd.s32 s0, s17;
	s18 =	sadd.s32 $0x5180, s25;
	[tilespmem:s20+$0x0] =	vst v50  }
0x19f: {  	s9 =	sadd.s32 s0, s18;
	[tilespmem:s12+$0x0] =	vst v14;
	v14 =	vnsel vm12, $0x0, v17  }
0x1a0: {  	s28 =	simm.s32 $0x161A0;
	[tilespmem:s9+$0x0] =	vst v14;
	v14 =	vsel vm12, $0x1, v9  }
0x1a1: {  	[tilespmem:s28+$0xFFFFFFE0] =	vst v14  }
0x1a2: {  	v14 =	vld [tilespmem:$0x5090];
	_ =	sdelay $0x4  }
0x1a3: {  	s9 =	sor.u32 $0x10, s0;
	v51 =	vld [tilespmem:$0x5010];
	vm13 =	vle.f32 v14, v11  }
0x1a4: {  	s20 =	sor.u32 s9, s2;
	v52 =	vnsel vm13, $0x0, v12  }
0x1a5: {  	s25 =	sor.u32 s9, s7;
	v53 =	vnsel vm13, $0x0, v13;
	[tilespmem:s20+$0x0] =	vst v52  }
0x1a6: {  	s12 =	sor.u32 s9, s1;
	v54 =	vnsel vm13, $0x0, v15;
	[tilespmem:s25+$0x0] =	vst v53  }
0x1a7: {  	v55 =	vnsel vm13, $0x0, v16;
	s20 =	sor.u32 s9, s4;
	[tilespmem:s12+$0x0] =	vst v54  }
0x1a8: {  	v17 =	vadd.f32 v51, v10;
	v56 =	vnsel vm13, $0x0, v18;
	s25 =	sadd.s32 s9, s8;
	[tilespmem:s20+$0x0] =	vst v55  }
0x1a9: {  	v14 =	vadd.f32 v14, v10;
	v57 =	vnsel vm13, $0x0, v19;
	s12 =	sadd.s32 s9, s16;
	[tilespmem:s25+$0x0] =	vst v56  }
0x1aa: {  	v17 =	vnsel vm13, $0x0, v17;
	s20 =	sadd.s32 s9, s17;
	[tilespmem:s12+$0x0] =	vst v57  }
0x1ab: {  	v14 =	vnsel vm13, $0x0, v14;
	s9 =	sadd.s32 s9, s18;
	[tilespmem:s20+$0x0] =	vst v17  }
0x1ac: {  	[tilespmem:s9+$0x0] =	vst v14;
	v14 =	vsel vm13, $0x1, v9  }
0x1ad: {  	[tilespmem:s28+$0xFFFFFFF0] =	vst v14  }
0x1ae: {  	v14 =	vld [tilespmem:$0x50A0];
	_ =	sdelay $0x4  }
0x1af: {  	s9 =	sor.u32 $0x20, s0;
	v17 =	vld [tilespmem:$0x5020];
	vm14 =	vle.f32 v14, v11  }
0x1b0: {  	s25 =	sor.u32 s9, s2;
	v58 =	vnsel vm14, $0x0, v12  }
0x1b1: {  	s12 =	sor.u32 s9, s7;
	v59 =	vnsel vm14, $0x0, v13;
	[tilespmem:s25+$0x0] =	vst v58  }
0x1b2: {  	s20 =	sor.u32 s9, s1;
	v60 =	vnsel vm14, $0x0, v15;
	[tilespmem:s12+$0x0] =	vst v59  }
0x1b3: {  	v61 =	vnsel vm14, $0x0, v16;
	s25 =	sor.u32 s9, s4;
	[tilespmem:s20+$0x0] =	vst v60  }
0x1b4: {  	v17 =	vadd.f32 v17, v10;
	v62 =	vnsel vm14, $0x0, v18;
	s12 =	sadd.s32 s9, s8;
	[tilespmem:s25+$0x0] =	vst v61  }
0x1b5: {  	v14 =	vadd.f32 v14, v10;
	v63 =	vnsel vm14, $0x0, v19;
	s20 =	sadd.s32 s9, s16;
	[tilespmem:s12+$0x0] =	vst v62  }
0x1b6: {  	v17 =	vnsel vm14, $0x0, v17;
	s25 =	sadd.s32 s9, s17;
	[tilespmem:s20+$0x0] =	vst v63  }
0x1b7: {  	v14 =	vnsel vm14, $0x0, v14;
	s9 =	sadd.s32 s9, s18;
	[tilespmem:s25+$0x0] =	vst v17  }
0x1b8: {  	[tilespmem:s9+$0x0] =	vst v14;
	v14 =	vsel vm14, $0x1, v9  }
0x1b9: {  	[tilespmem:s28+$0x0] =	vst v14  }
0x1ba: {  	v14 =	vld [tilespmem:$0x50B0];
	_ =	sdelay $0x4  }
0x1bb: {  	s0 =	sor.u32 $0x30, s0;
	v17 =	vld [tilespmem:$0x5030];
	vm15 =	vle.f32 v14, v11  }
0x1bc: {  	s2 =	sor.u32 s0, s2;
	v11 =	vnsel vm15, $0x0, v12  }
0x1bd: {  	s9 =	sor.u32 s0, s7;
	[tilespmem:s2+$0x0] =	vst v11;
	v11 =	vnsel vm15, $0x0, v13  }
0x1be: {  	s1 =	sor.u32 s0, s1;
	[tilespmem:s9+$0x0] =	vst v11;
	v11 =	vnsel vm15, $0x0, v15  }
0x1bf: {  	s12 =	sor.u32 s0, s4;
	[tilespmem:s1+$0x0] =	vst v11;
	v11 =	vnsel vm15, $0x0, v16  }
0x1c0: {  	s19 =	sadd.s32 s0, s8;
	v12 =	vadd.f32 v17, v10;
	[tilespmem:s12+$0x0] =	vst v11;
	v11 =	vnsel vm15, $0x0, v18  }
0x1c1: {  	s30 =	sadd.s32 $0x1, s22;
	s20 =	sadd.s32 s0, s16;
	v10 =	vadd.f32 v14, v10;
	v13 =	vnsel vm15, $0x0, v19;
	[tilespmem:s19+$0x0] =	vst v11  }
0x1c2: {  	s25 =	sadd.s32 s0, s17;
	v12 =	vnsel vm15, $0x0, v12;
	v11 =	vmov s30;
	[tilespmem:s20+$0x0] =	vst v13  }
0x1c3: {  	s0 =	sadd.s32 s0, s18;
	v10 =	vnsel vm15, $0x0, v10;
	v13 =	vshll.u32 v11, $0x3;
	[tilespmem:s25+$0x0] =	vst v12  }
0x1c4: {  	s29 =	simm.s32 $0x200;
	s31 =	simm.s32 $0x400;
	s25 =	sshllo.u32 s24, $0x1;
	v12 =	vand.u32 $0x7FFFFC00, v13;
	v13 =	vsel vm15, $0x1, v9;
	[tilespmem:s0+$0x0] =	vst v10;
	v10 =	vand.u32 $0x7F, v11  }
.LBB2_7:
0x1c5: {  	p0 =	sne.s32 s31, $0x7E00;
	v12 =	vor.u32 v10, v12;
	[tilespmem:s28+$0x10] =	vst v13;
	s26 =	sadd.s32 $0x40, s26;
	s28 =	sadd.s32 $0x40, s28  }
0x1c6: {  	s19 =	smov.u32 s31;
	s31 =	sadd.s32 $0x200, s31;
	v13 =	vor.u32 $0x80, v12;
	v14 =	vor.u32 $0x100, v12;
	v15 =	vor.u32 $0x180, v12;
	v17 =	vld [tilespmem:$0x5000]  }
0x1c7: {  	v18 =	vor.u32 $0x200, v12;
	v19 =	vor.u32 $0x280, v12;
	v10 =	vld.idx.msk [tilespmem:v11+s10+$0x0], $0xffff  }
0x1c8: {  	v20 =	vld [tilespmem:$0x5080]  }
0x1c9: {  	v16 =	vld.idx.msk [tilespmem:v11+s11+$0x0], $0xffff  }
0x1ca: {  	v12 =	vld.idx.msk [tilespmem:v12+s3+$0x0], $0xffff  }
0x1cb: {  	v13 =	vld.idx.msk [tilespmem:v13+s3+$0x0], $0xffff  }
0x1cc: {  	v14 =	vld.idx.msk [tilespmem:v14+s3+$0x0], $0xffff  }
0x1cd: {  	v21 =	vadd.f32 v17, v10;
	v11 =	vld.idx.msk [tilespmem:v15+s3+$0x0], $0xffff;
	v22 =	vadd.f32 v20, v10  }
0x1ce: {  	s4 =	sand.u32 $0x7C00, s29;
	s1 =	sand.u32 $0x40, s26;
	v17 =	vld.idx.msk [tilespmem:v18+s3+$0x0], $0xffff  }
0x1cf: {  	s8 =	sadd.s32 $0xD180, s4;
	s0 =	sadd.s32 $0xD280, s4;
	s2 =	sadd.s32 $0xD300, s4;
	vm0 =	vle.f32 v20, v16;
	v15 =	vld.idx.msk [tilespmem:v19+s3+$0x0], $0xffff  }
0x1d0: {  	s4 =	sadd.s32 $0xD200, s4;
	s7 =	sor.u32 s1, s8;
	v18 =	vnsel vm0, $0x0, v12;
	v19 =	vnsel vm0, $0x0, v21  }
0x1d1: {  	[tilespmem:s7+$0x0] =	vst v18;
	v18 =	vnsel vm0, $0x0, v13;
	s7 =	sor.u32 s1, s4  }
0x1d2: {  	s9 =	sor.u32 $0x8200, s29;
	[tilespmem:s7+$0x0] =	vst v18;
	v18 =	vnsel vm0, $0x0, v14;
	s7 =	sor.u32 s1, s0  }
0x1d3: {  	s16 =	sor.u32 s1, s2;
	[tilespmem:s7+$0x0] =	vst v18;
	v18 =	vnsel vm0, $0x0, v11;
	s7 =	sadd.s32 $0x5180, s9;
	s9 =	sor.u32 $0x8280, s29  }
0x1d4: {  	[tilespmem:s16+$0x0] =	vst v18;
	v18 =	vnsel vm0, $0x0, v17;
	s17 =	sadd.s32 s1, s7;
	s16 =	sadd.s32 $0x5180, s9;
	s9 =	sor.u32 $0x8300, s29  }
0x1d5: {  	[tilespmem:s17+$0x0] =	vst v18;
	v18 =	vnsel vm0, $0x0, v15;
	s18 =	sadd.s32 s1, s16;
	s17 =	sadd.s32 $0x5180, s9;
	s9 =	sor.u32 $0x8380, s29  }
0x1d6: {  	s29 =	smov.u32 s19;
	[tilespmem:s18+$0x0] =	vst v18;
	s20 =	sadd.s32 s1, s17;
	s18 =	sadd.s32 $0x5180, s9  }
0x1d7: {  	v18 =	vnsel vm0, $0x0, v22;
	[tilespmem:s20+$0x0] =	vst v19;
	s9 =	sadd.s32 s1, s18  }
0x1d8: {  	[tilespmem:s9+$0x0] =	vst v18;
	v18 =	vsel vm0, $0x1, v9  }
0x1d9: {  	[tilespmem:s28+$0xFFFFFFE0] =	vst v18  }
0x1da: {  	v18 =	vld [tilespmem:$0x5090];
	_ =	sdelay $0x4  }
0x1db: {  	s9 =	sor.u32 $0x10, s1;
	v19 =	vld [tilespmem:$0x5010];
	vm0 =	vle.f32 v18, v16;
	v18 =	vadd.f32 v18, v10  }
0x1dc: {  	s19 =	sor.u32 s9, s8;
	s20 =	sor.u32 s9, s0;
	s12 =	sadd.s32 s9, s7;
	v20 =	vnsel vm0, $0x0, v12;
	v21 =	vnsel vm0, $0x0, v13;
	v22 =	vnsel vm0, $0x0, v14  }
0x1dd: {  	v23 =	vnsel vm0, $0x0, v17;
	v24 =	vnsel vm0, $0x0, v15;
	[tilespmem:s19+$0x0] =	vst v20;
	s19 =	sor.u32 s9, s4;
	v20 =	vnsel vm0, $0x0, v11  }
0x1de: {  	v18 =	vnsel vm0, $0x0, v18;
	[tilespmem:s19+$0x0] =	vst v21  }
0x1df: {  	s19 =	sor.u32 s9, s2;
	[tilespmem:s20+$0x0] =	vst v22  }
0x1e0: {  	[tilespmem:s19+$0x0] =	vst v20;
	v19 =	vadd.f32 v19, v10  }
0x1e1: {  	[tilespmem:s12+$0x0] =	vst v23;
	s12 =	sadd.s32 s9, s16  }
0x1e2: {  	[tilespmem:s12+$0x0] =	vst v24;
	v19 =	vnsel vm0, $0x0, v19;
	s12 =	sadd.s32 s9, s17  }
0x1e3: {  	s9 =	sadd.s32 s9, s18;
	[tilespmem:s12+$0x0] =	vst v19  }
0x1e4: {  	[tilespmem:s9+$0x0] =	vst v18;
	v18 =	vsel vm0, $0x1, v9  }
0x1e5: {  	[tilespmem:s28+$0xFFFFFFF0] =	vst v18  }
0x1e6: {  	v18 =	vld [tilespmem:$0x50A0];
	_ =	sdelay $0x4  }
0x1e7: {  	s9 =	sor.u32 $0x20, s1;
	v19 =	vld [tilespmem:$0x5020];
	vm0 =	vle.f32 v18, v16;
	v18 =	vadd.f32 v18, v10  }
0x1e8: {  	s12 =	sor.u32 s9, s8;
	s19 =	sor.u32 s9, s0;
	s20 =	sadd.s32 s9, s7;
	v20 =	vnsel vm0, $0x0, v12;
	v21 =	vnsel vm0, $0x0, v13;
	v22 =	vnsel vm0, $0x0, v14  }
0x1e9: {  	v23 =	vnsel vm0, $0x0, v17;
	v24 =	vnsel vm0, $0x0, v15;
	[tilespmem:s12+$0x0] =	vst v20;
	s12 =	sor.u32 s9, s4;
	v20 =	vnsel vm0, $0x0, v11  }
0x1ea: {  	v18 =	vnsel vm0, $0x0, v18;
	[tilespmem:s12+$0x0] =	vst v21  }
0x1eb: {  	s12 =	sor.u32 s9, s2;
	[tilespmem:s19+$0x0] =	vst v22  }
0x1ec: {  	[tilespmem:s12+$0x0] =	vst v20;
	v19 =	vadd.f32 v19, v10  }
0x1ed: {  	s12 =	sadd.s32 s9, s16;
	[tilespmem:s20+$0x0] =	vst v23  }
0x1ee: {  	[tilespmem:s12+$0x0] =	vst v24;
	v19 =	vnsel vm0, $0x0, v19;
	s12 =	sadd.s32 s9, s17  }
0x1ef: {  	s9 =	sadd.s32 s9, s18;
	[tilespmem:s12+$0x0] =	vst v19  }
0x1f0: {  	[tilespmem:s9+$0x0] =	vst v18;
	v18 =	vsel vm0, $0x1, v9  }
0x1f1: {  	[tilespmem:s28+$0x0] =	vst v18  }
0x1f2: {  	v18 =	vld [tilespmem:$0x50B0]  }
0x1f3: {  	v19 =	vld [tilespmem:$0x5030];
	_ =	sdelay $0x3  }
0x1f4: {  	s1 =	sor.u32 $0x30, s1;
	vm0 =	vle.f32 v18, v16;
	v16 =	vadd.f32 v18, v10  }
0x1f5: {  	s8 =	sor.u32 s1, s8;
	s0 =	sor.u32 s1, s0;
	v12 =	vnsel vm0, $0x0, v12;
	v13 =	vnsel vm0, $0x0, v13;
	v14 =	vnsel vm0, $0x0, v14  }
0x1f6: {  	s4 =	sor.u32 s1, s4;
	v11 =	vnsel vm0, $0x0, v11;
	v10 =	vadd.f32 v19, v10;
	[tilespmem:s8+$0x0] =	vst v12;
	v12 =	vnsel vm0, $0x0, v17  }
0x1f7: {  	[tilespmem:s4+$0x0] =	vst v13;
	v13 =	vnsel vm0, $0x0, v15;
	v15 =	vnsel vm0, $0x0, v16  }
0x1f8: {  	v10 =	vnsel vm0, $0x0, v10;
	[tilespmem:s0+$0x0] =	vst v14;
	s0 =	sor.u32 s1, s2  }
.Ltmp2:
0x1f9: {  	[tilespmem:s0+$0x0] =	vst v11;
	s0 =	sadd.s32 s1, s7;
	(pc) =	sbr.rel @p0 .LBB2_7-.Ltmp2, $4  }
0x1fa: {  	s30 =	sadd.s32 $0x1, s30;
	[tilespmem:s0+$0x0] =	vst v12;
	s0 =	sadd.s32 s1, s16  }
0x1fb: {  	v11 =	vmov s30;
	[tilespmem:s0+$0x0] =	vst v13;
	s0 =	sadd.s32 s1, s17  }
0x1fc: {  	v12 =	vshll.u32 v11, $0x3;
	[tilespmem:s0+$0x0] =	vst v10;
	s0 =	sadd.s32 s1, s18  }
0x1fd: {  	v12 =	vand.u32 $0x7FFFFC00, v12;
	v13 =	vsel vm0, $0x1, v9;
	v10 =	vand.u32 $0x7F, v11;
	[tilespmem:s0+$0x0] =	vst v15  }
0x1fe: {  	_ =	sdelay $0x1  }
0x1ff: {  	v12 =	vor.u32 v10, v12;
	[tilespmem:s28+$0x10] =	vst v13  }
0x200: {  	v38 =	vor.u32 $0x80, v12;
	v14 =	vld [tilespmem:$0x5000]  }
0x201: {  	v15 =	vor.u32 $0x100, v12;
	v10 =	vld.idx.msk [tilespmem:v11+s10+$0x0], $0xffff  }
0x202: {  	v16 =	vor.u32 $0x180, v12;
	v17 =	vld [tilespmem:$0x5080]  }
0x203: {  	v18 =	vor.u32 $0x200, v12;
	v11 =	vld.idx.msk [tilespmem:v11+s11+$0x0], $0xffff  }
0x204: {  	v19 =	vor.u32 $0x280, v12;
	v12 =	vld.idx.msk [tilespmem:v12+s3+$0x0], $0xffff  }
0x205: {  	v13 =	vld.idx.msk [tilespmem:v38+s3+$0x0], $0xffff  }
0x206: {  	v15 =	vld.idx.msk [tilespmem:v15+s3+$0x0], $0xffff  }
0x207: {  	s0 =	sadd.s32 $0x40, s26;
	s4 =	sand.u32 $0x7C00, s29;
	v16 =	vld.idx.msk [tilespmem:v16+s3+$0x0], $0xffff  }
0x208: {  	s0 =	sand.u32 $0x40, s0;
	s1 =	sadd.s32 $0xD180, s4;
	v18 =	vld.idx.msk [tilespmem:v18+s3+$0x0], $0xffff;
	vm0 =	vle.f32 v17, v11  }
0x209: {  	s7 =	sadd.s32 $0xD200, s4;
	s8 =	sor.u32 s0, s1;
	v19 =	vld.idx.msk [tilespmem:v19+s3+$0x0], $0xffff;
	v20 =	vnsel vm0, $0x0, v12  }
0x20a: {  	s2 =	sadd.s32 $0xD280, s4;
	s12 =	sor.u32 s0, s7;
	[tilespmem:s8+$0x0] =	vst v20;
	v39 =	vnsel vm0, $0x0, v13  }
0x20b: {  	s9 =	sor.u32 $0x8200, s29;
	s4 =	sadd.s32 $0xD300, s4;
	s16 =	sor.u32 s0, s2;
	v40 =	vnsel vm0, $0x0, v15;
	[tilespmem:s12+$0x0] =	vst v39  }
0x20c: {  	s17 =	sor.u32 $0x8280, s29;
	v41 =	vnsel vm0, $0x0, v16;
	s8 =	sadd.s32 $0x5180, s9;
	s12 =	sor.u32 s0, s4;
	[tilespmem:s16+$0x0] =	vst v40  }
0x20d: {  	s19 =	sor.u32 $0x8300, s29;
	v14 =	vadd.f32 v14, v10;
	v42 =	vnsel vm0, $0x0, v18;
	s18 =	sadd.s32 s0, s8;
	s16 =	sadd.s32 $0x5180, s17;
	[tilespmem:s12+$0x0] =	vst v41  }
0x20e: {  	s26 =	sor.u32 $0x8380, s29;
	v17 =	vadd.f32 v17, v10;
	v43 =	vnsel vm0, $0x0, v19;
	s17 =	sadd.s32 $0x5180, s19;
	s20 =	sadd.s32 s0, s16;
	[tilespmem:s18+$0x0] =	vst v42  }
0x20f: {  	s26 =	sadd.s32 $0x5180, s26;
	v14 =	vnsel vm0, $0x0, v14;
	s29 =	sadd.s32 s0, s17;
	[tilespmem:s20+$0x0] =	vst v43  }
0x210: {  	v44 =	vnsel vm0, $0x0, v17;
	s9 =	sadd.s32 s0, s26;
	[tilespmem:s29+$0x0] =	vst v14  }
0x211: {  	v45 =	vsel vm0, $0x1, v9;
	s18 =	sadd.s32 $0x40, s28;
	[tilespmem:s9+$0x0] =	vst v44  }
0x212: {  	[tilespmem:s18+$0xFFFFFFE0] =	vst v45  }
0x213: {  	v14 =	vld [tilespmem:$0x5090];
	_ =	sdelay $0x4  }
0x214: {  	s9 =	sor.u32 $0x10, s0;
	v46 =	vld [tilespmem:$0x5010];
	vm13 =	vle.f32 v14, v11  }
0x215: {  	s30 =	sor.u32 s9, s1;
	v47 =	vnsel vm13, $0x0, v12  }
0x216: {  	s31 =	sor.u32 s9, s7;
	v21 =	vnsel vm13, $0x0, v13;
	[tilespmem:s30+$0x0] =	vst v47  }
0x217: {  	s19 =	sor.u32 s9, s2;
	v48 =	vnsel vm13, $0x0, v15;
	[tilespmem:s31+$0x0] =	vst v21  }
0x218: {  	s20 =	sor.u32 s9, s4;
	v49 =	vnsel vm13, $0x0, v16;
	[tilespmem:s19+$0x0] =	vst v48  }
0x219: {  	s28 =	sadd.s32 s9, s8;
	v17 =	vadd.f32 v46, v10;
	v50 =	vnsel vm13, $0x0, v18;
	[tilespmem:s20+$0x0] =	vst v49  }
0x21a: {  	s29 =	sadd.s32 s9, s16;
	v14 =	vadd.f32 v14, v10;
	v51 =	vnsel vm13, $0x0, v19;
	[tilespmem:s28+$0x0] =	vst v50  }
0x21b: {  	v17 =	vnsel vm13, $0x0, v17;
	s30 =	sadd.s32 s9, s17;
	[tilespmem:s29+$0x0] =	vst v51  }
0x21c: {  	v14 =	vnsel vm13, $0x0, v14;
	s9 =	sadd.s32 s9, s26;
	[tilespmem:s30+$0x0] =	vst v17  }
0x21d: {  	v52 =	vsel vm13, $0x1, v9;
	[tilespmem:s9+$0x0] =	vst v14  }
0x21e: {  	[tilespmem:s18+$0xFFFFFFF0] =	vst v52  }
0x21f: {  	v14 =	vld [tilespmem:$0x50A0];
	_ =	sdelay $0x4  }
0x220: {  	s9 =	sor.u32 $0x20, s0;
	v17 =	vld [tilespmem:$0x5020];
	vm14 =	vle.f32 v14, v11  }
0x221: {  	s31 =	sor.u32 s9, s1;
	v53 =	vnsel vm14, $0x0, v12  }
0x222: {  	s19 =	sor.u32 s9, s7;
	v54 =	vnsel vm14, $0x0, v13;
	[tilespmem:s31+$0x0] =	vst v53  }
0x223: {  	s20 =	sor.u32 s9, s2;
	v55 =	vnsel vm14, $0x0, v15;
	[tilespmem:s19+$0x0] =	vst v54  }
0x224: {  	s28 =	sor.u32 s9, s4;
	v56 =	vnsel vm14, $0x0, v16;
	[tilespmem:s20+$0x0] =	vst v55  }
0x225: {  	s29 =	sadd.s32 s9, s8;
	v17 =	vadd.f32 v17, v10;
	v57 =	vnsel vm14, $0x0, v18;
	[tilespmem:s28+$0x0] =	vst v56  }
0x226: {  	s30 =	sadd.s32 s9, s16;
	v14 =	vadd.f32 v14, v10;
	v58 =	vnsel vm14, $0x0, v19;
	[tilespmem:s29+$0x0] =	vst v57  }
0x227: {  	v17 =	vnsel vm14, $0x0, v17;
	s31 =	sadd.s32 s9, s17;
	[tilespmem:s30+$0x0] =	vst v58  }
0x228: {  	v14 =	vnsel vm14, $0x0, v14;
	s9 =	sadd.s32 s9, s26;
	[tilespmem:s31+$0x0] =	vst v17  }
0x229: {  	v59 =	vsel vm14, $0x1, v9;
	[tilespmem:s9+$0x0] =	vst v14  }
0x22a: {  	[tilespmem:s18+$0x0] =	vst v59  }
0x22b: {  	v14 =	vld [tilespmem:$0x50B0];
	_ =	sdelay $0x4  }
0x22c: {  	s0 =	sor.u32 $0x30, s0;
	v17 =	vld [tilespmem:$0x5030];
	vm15 =	vle.f32 v14, v11  }
0x22d: {  	s1 =	sor.u32 s0, s1;
	v11 =	vnsel vm15, $0x0, v12  }
0x22e: {  	s9 =	sor.u32 s0, s7;
	v60 =	vnsel vm15, $0x0, v13;
	[tilespmem:s1+$0x0] =	vst v11  }
0x22f: {  	s2 =	sor.u32 s0, s2;
	v11 =	vnsel vm15, $0x0, v15;
	[tilespmem:s9+$0x0] =	vst v60  }
0x230: {  	s12 =	sor.u32 s0, s4;
	v61 =	vnsel vm15, $0x0, v16;
	[tilespmem:s2+$0x0] =	vst v11  }
0x231: {  	s19 =	sadd.s32 s0, s8;
	v62 =	vadd.f32 v17, v10;
	v11 =	vnsel vm15, $0x0, v18;
	[tilespmem:s12+$0x0] =	vst v61  }
0x232: {  	s20 =	sadd.s32 s0, s16;
	v10 =	vadd.f32 v14, v10;
	v63 =	vnsel vm15, $0x0, v19;
	[tilespmem:s19+$0x0] =	vst v11  }
0x233: {  	s24 =	sadd.s32 $0x1, s24;
	s28 =	sadd.s32 s0, s17;
	v11 =	vnsel vm15, $0x0, v62;
	[tilespmem:s20+$0x0] =	vst v63  }
0x234: {  	p0 =	sne.s32 s24, $0x10;
	s0 =	sadd.s32 s0, s26;
	v10 =	vnsel vm15, $0x0, v10;
	[tilespmem:s28+$0x0] =	vst v11  }
.Ltmp3:
0x235: {  	s29 =	sshll.u32 s25, $0xC;
	[tilespmem:s0+$0x0] =	vst v10;
	v10 =	vsel vm15, $0x1, v9;
	(pc) =	sbr.rel @p0 .LBB2_4-.Ltmp3, $4  }
0x236: {  	s30 =	sshll.u32 s25, $0x9;
	s0 =	sadd.s32 s29, s5;
	[tilespmem:s18+$0x10] =	vst v10  }
0x237: {  	[hbm4b:s0+s3] =	stream.linear.scatter [tilespmem:s14], [sflag:$0x2], $0x8000, $0x38;
	[tilespmem:$0x17180] =	vst v63  }
0x238: {  	s23 =	sadd.s32 $0x80, s23;
	s22 =	sadd.s32 $0x80, s22;
	s31 =	sadd.s32 s30, s6  }
0x239: {  	[hbm4b:s31+s3] =	stream.linear.scatter [tilespmem:s15], [sflag:$0x4], $0x1000, $0x38;
	[tilespmem:$0x17180] =	vst v63  }
0x23a: {  	s0 =	simm.s32 $0x1  }
0x23b: {  	_ =	swait.ge [sflag:s0], $0x8000  }
0x23c: {  	[sflag:s0] =	ssyncset.done $0x0  }
0x23d: {  	s29 =	simm.s32 $0x3;
	[sflag:s0] =	ssyncadd.s32 $0xFFFF8000  }
0x23e: {  	_ =	swait.ge [sflag:s29], $0x1000  }
0x23f: {  	[sflag:s29] =	ssyncset.done $0x0  }
0x240: {  	s30 =	simm.s32 $0x2;
	[sflag:s29] =	ssyncadd.s32 $0xFFFFF000  }
0x241: {  	_ =	swait.ge [sflag:s30], $0x8000  }
0x242: {  	[sflag:s30] =	ssyncset.done $0x0  }
0x243: {  	s1 =	simm.s32 $0x4;
	[sflag:s30] =	ssyncadd.s32 $0xFFFF8000  }
0x244: {  	_ =	swait.ge [sflag:s1], $0x1000  }
0x245: {  	s2 =	rddreg [dreg:$0x7]  }
0x246: {  	s31 =	rddreg [dreg:$0x6];
	s2 =	sadd.s32 $0x1, s2  }
0x247: {  	p0 =	sne.s32 s2, s31  }
.Ltmp4:
0x248: {  	_ = 	snop;
	(pc) =	sbr.rel @p0 .LBB2_1-.Ltmp4, $3  }
0x249: {  	_ =	sdelay $0x1  }
0x24a: {  	[sflag:s1] =	ssyncset.done $0x0  }
0x24b: {  	[sflag:s1] =	ssyncadd.s32 $0xFFFFF000  }
0x24c: {  	_ =	sfence.sel $0x180000  }
0x24d: {  	[bflag:$0x0] =	sbarrier.arrive $0xFFFF  }
0x24e: {  	_ =	strace $0x90000047  }
0x24f: {  	s0 =	stileid.u32;
	[bflag:$0x2] =	sbarrier.arrive $0xFFFF  }
0x250: {  	p0 =	sne.s32 s0, $0x0;
	s0 =	rddreg [dreg:$0x4]  }
0x251: {  	s0 =	sadd.s32 @!p0 $0x100000, s0  }
0x252: {  	[sflag:s0] =	ssyncadd.tile.s32 @!p0 $0x1;
	_ =	shalt  }
.Lfunc_end2:
_tile_overlayer_lowered:
.L_overlay_start_2:
0x253: {  	(tag) =	ssettag $0x2  }
0x254: {  	s0 =	rddreg [dreg:$0x0];
	s2 =	stileid.u32  }
0x255: {  	s1 =	rddreg [dreg:$0x1];
	p0 =	sne.s32 s2, $0x0  }
0x256: {  	s3 =	rddreg [dreg:$0x2];
	[bflag:$0x3] =	sbarrier.arrive $0xFFFF;
	s2 =	simm.s32 @!p0 $0x1C05  }
0x257: {  	[timem:s3], [sflag:s2] =	dma.local @!p0 [hbm:s0], s1  }
0x258: {  	s0 =	simm.s32 @!p0 $0x5  }
0x259: {  	_ =	swait.ge @!p0 [sflag:s0], s1  }
0x25a: {  	s1 =	ssub.s32 @!p0 $0x0, s1;
	[sflag:s0] =	ssyncset.done @!p0 $0x0  }
0x25b: {  	[sflag:s0] =	ssyncadd.s32 @!p0 s1  }
0x25c: {  	[bflag:$0x3] =	sbarrier.arrive $0xFFFF  }
0x25d: {  	_ =	shalt  }

</sc_bundles>
